<compile_context>
chip_gen: v7x
topology: tpu7x:2x2x1
jax: 0.10.2.dev20260603
libtpu: 0.0.44.dev20260713+nightly
codegen_flags: <defaults>
</compile_context>

<pallas_src>
import functools

import jax
import jax.numpy as jnp
from jax import lax
from jax.experimental import pallas as pl
from jax.experimental.pallas import tpu as pltpu
from jax.experimental.pallas import tpu_sc as plsc

_NC = 2
_NS = 16
_NW = _NC * _NS


def _sc_detile(embeddings):
    V, H = embeddings.shape
    embT = embeddings.T
    grp = 1
    width = 128 * grp
    full_cols = V // 128
    tail = V - full_cols * 128
    assert full_cols % grp == 0
    n_groups = full_cols // grp
    rem = n_groups % _NW
    n_steps = (n_groups + _NW - 1) // _NW
    n_super = (n_steps + 1) // 2
    blk = width * H

    mesh = plsc.VectorSubcoreMesh(core_axis_name="c", subcore_axis_name="s")

    @functools.partial(
        pl.kernel,
        out_type=jax.ShapeDtypeStruct((V * H,), jnp.float32),
        mesh=mesh,
        scratch_types=[
            pltpu.VMEM((H, width), jnp.float32),
            pltpu.VMEM((H, width), jnp.float32),
            pltpu.VMEM((blk,), jnp.float32),
            pltpu.VMEM((blk,), jnp.float32),
            pltpu.VMEM((H, tail), jnp.float32) if tail else None,
            pltpu.SemaphoreType.DMA,
            pltpu.SemaphoreType.DMA,
            pltpu.SemaphoreType.DMA,
            pltpu.SemaphoreType.DMA,
        ],
        compiler_params=pltpu.CompilerParams(needs_layout_passes=False),
    )
    def k(embT_hbm, out_hbm, in0, in1, ob0, ob1, tail_buf, si0, si1, so0,
          so1):
        wid = lax.axis_index("s") * _NC + lax.axis_index("c")
        n_t = (n_groups // _NW) + jnp.where(wid < rem, 1, 0)

        def start_in(t, buf, sem):
            @pl.when(t < n_t)
            def _():
                c = wid + _NW * t
                pltpu.make_async_copy(
                    embT_hbm.at[:, pl.ds(c * width, width)], buf, sem).start()

        def wait_in(t, buf, sem):
            @pl.when(t < n_t)
            def _():
                pltpu.make_async_copy(
                    embT_hbm.at[:, pl.ds(0, width)], buf, sem).wait()

        def xpose_cols(in_buf, out_buf, ncols):
            kvecs = [lax.iota(jnp.int32, 16) + (16 * h)
                     for h in range(H // 16)]

            @plsc.parallel_loop(0, ncols, step=1, unroll=16)
            def _(j):
                jvec = jnp.zeros((16,), jnp.int32) + j
                for h, kvec in enumerate(kvecs):
                    v = plsc.load_gather(in_buf, [kvec, jvec])
                    out_buf[pl.ds(H * j + 16 * h, 16)] = v

        def xpose(t, in_buf, out_buf):
            @pl.when(t < n_t)
            def _():
                xpose_cols(in_buf, out_buf, width)

        def start_out(t, buf, sem):
            @pl.when(t < n_t)
            def _():
                c = wid + _NW * t
                pltpu.make_async_copy(
                    buf, out_hbm.at[pl.ds(c * blk, blk)], sem).start()

        def wait_out(pred, buf, sem):
            @pl.when(pred)
            def _():
                pltpu.make_async_copy(
                    buf, out_hbm.at[pl.ds(0, blk)], sem).wait()

        start_in(0, in0, si0)

        def ubody(u, carry):
            t0 = 2 * u
            t1 = t0 + 1
            start_in(t1, in1, si1)
            wait_out((u > 0) & (t0 - 2 < n_t), ob0, so0)
            wait_in(t0, in0, si0)
            xpose(t0, in0, ob0)
            start_out(t0, ob0, so0)
            start_in(t0 + 2, in0, si0)
            wait_out((u > 0) & (t1 - 2 < n_t), ob1, so1)
            wait_in(t1, in1, si1)
            xpose(t1, in1, ob1)
            start_out(t1, ob1, so1)
            return carry

        lax.fori_loop(0, n_super, ubody, 0)
        last0 = 2 * (n_super - 1)
        wait_out(last0 < n_t, ob0, so0)
        wait_out(last0 + 1 < n_t, ob1, so1)

        if tail:
            @pl.when(wid == rem)
            def _():
                pltpu.sync_copy(
                    embT_hbm.at[:, pl.ds(full_cols * 128, tail)], tail_buf)
                xpose_cols(tail_buf, ob0, tail)
                pltpu.sync_copy(
                    ob0.at[pl.ds(0, tail * H)],
                    out_hbm.at[pl.ds(n_groups * blk, tail * H)])

    return k(embT).reshape(V, H)


def _sc_gather_packed(table, idx, n, hidden):
    pack = 128 // hidden
    b_per_w = n // _NW
    chunk = b_per_w
    while chunk * hidden * 4 > 400_000:
        chunk //= 2
    n_chunks = b_per_w // chunk

    mesh = plsc.VectorSubcoreMesh(core_axis_name="c", subcore_axis_name="s")

    @functools.partial(
        pl.kernel,
        out_type=jax.ShapeDtypeStruct((n, hidden), jnp.float32),
        mesh=mesh,
        scratch_types=[
            pltpu.VMEM((chunk,), jnp.int32),
            pltpu.VMEM((chunk, hidden), jnp.float32),
            pltpu.SemaphoreType.DMA,
        ],
        compiler_params=pltpu.CompilerParams(use_tc_tiling_on_sc=False),
    )
    def k(table_hbm, idx_hbm, out_hbm, idx_v, rows_v, sem):
        wid = lax.axis_index("s") * _NC + lax.axis_index("c")
        base = wid * b_per_w
        for i in range(n_chunks):
            off = base + i * chunk
            pltpu.sync_copy(idx_hbm.at[pl.ds(off, chunk)], idx_v)
            pltpu.async_copy(table_hbm.at[idx_v], rows_v, sem).wait()
            pltpu.sync_copy(rows_v, out_hbm.at[pl.ds(off, chunk)])

    return k(table, idx).reshape(n // pack, hidden * pack)


def _tc_project_packed(x, w, l, b):
    m, kdim = x.shape
    hidden, out_dim = w.shape
    pack = kdim // hidden
    blk = b // pack

    def body(x_ref, w_ref, o_ref):
        for p in range(pack):
            o_ref[0, blk * p:blk * (p + 1), :] = jnp.dot(
                x_ref[:, hidden * p:hidden * (p + 1)], w_ref[...],
                preferred_element_type=jnp.float32)

    return pl.pallas_call(
        body,
        grid=(l,),
        in_specs=[
            pl.BlockSpec((blk, kdim), lambda i: (i, 0)),
            pl.BlockSpec((hidden, out_dim), lambda i: (0, 0)),
        ],
        out_specs=pl.BlockSpec((1, b, out_dim), lambda i: (i, 0, 0)),
        out_shape=jax.ShapeDtypeStruct((l, b, out_dim), jnp.float32),
    )(x, w)


def kernel(inputs, embeddings, project_kernel):
    b, l = inputs.shape
    n = b * l
    hidden = embeddings.shape[1]
    out_dim = project_kernel.shape[1]
    pack = 128 // hidden

    idx = inputs.T.reshape(l, pack, b // pack).transpose(0, 2, 1)
    idx = idx.reshape(n).astype(jnp.int32)
    table_lin = _sc_detile(embeddings)
    g = _sc_gather_packed(table_lin, idx, n, hidden)
    out = _tc_project_packed(g, project_kernel, l, b)
    return out.transpose(1, 0, 2)

# --- scband reference (transcript-rebuilt; emitter-appended) ---
"""Pipeline reference for scband-factorized-embedding-23373212025116 (READ-ONLY COPY).

The authoritative reference and input builder live on the scoring server;
editing this copy changes nothing except your own understanding.
"""

import jax, jax.numpy as jnp
import numpy as np

INPUT_DIM = 1000000
OUTPUT_DIM = 128
HIDDEN_DIM = 32

def setup_inputs(seed: int = 0) -> dict:
    key = jax.random.key(seed)
    k1, k2, k3 = jax.random.split(key, 3)
    inputs = jax.random.randint(k1, (4096, 50), 0, INPUT_DIM, dtype=jnp.int64 if jax.config.jax_enable_x64 else jnp.int32)
    # embeddings: 'uniform' initializer in keras defaults to U(-0.05, 0.05)
    embeddings = jax.random.uniform(k2, (INPUT_DIM, HIDDEN_DIM), dtype=jnp.float32, minval=-0.05, maxval=0.05)
    # project_kernel: glorot_uniform
    limit = float(np.sqrt(6.0 / (HIDDEN_DIM + OUTPUT_DIM)))
    project_kernel = jax.random.uniform(k3, (HIDDEN_DIM, OUTPUT_DIM), dtype=jnp.float32, minval=-limit, maxval=limit)
    return {"inputs": inputs, "embeddings": embeddings, "project_kernel": project_kernel}

def reference(inputs, embeddings, project_kernel):
    idx = inputs.astype(jnp.int32)
    # gather from low-rank embedding table
    outputs = jnp.take(embeddings, idx, axis=0)  # [B, L, hidden]
    # project up to full output dim
    outputs = jnp.dot(outputs, project_kernel)  # [B, L, output]
    return outputs

if __name__ == "__main__":
    import jax
    _d = setup_inputs()
    print(jax.jit(kernel)(*tuple(_d.values())))

</pallas_src>

<mosaic_0001>
#map = affine_map<(d0, d1) -> (0, 0)>
#map1 = affine_map<(d0, d1) -> (0)>
module attributes {stable_mosaic.version = 14 : i64} {
  func.func @k(%arg0: i32, %arg1: i32, %arg2: memref<32x1000000xf32, #tpu.memory_space<hbm>>, %arg3: memref<32000000xf32, #tpu.memory_space<hbm>>, %arg4: memref<32x128xf32, #tpu.memory_space<vmem>>, %arg5: memref<32x128xf32, #tpu.memory_space<vmem>>, %arg6: memref<4096xf32, #tpu.memory_space<vmem>>, %arg7: memref<4096xf32, #tpu.memory_space<vmem>>, %arg8: memref<32x64xf32, #tpu.memory_space<vmem>>, %arg9: memref<!tpu.dma_semaphore, #tpu.memory_space<semaphore_mem>>, %arg10: memref<!tpu.dma_semaphore, #tpu.memory_space<semaphore_mem>>, %arg11: memref<!tpu.dma_semaphore, #tpu.memory_space<semaphore_mem>>, %arg12: memref<!tpu.dma_semaphore, #tpu.memory_space<semaphore_mem>>) attributes {dimension_semantics = [#tpu.dimension_semantics<core_parallel>, #tpu.dimension_semantics<subcore_parallel>], iteration_bounds = array<i64: 2, 16>, scalar_prefetch = 0 : i64, scratch_operands = 9 : i64, tpu.core_type = #tpu.core_type<sc_vector_subcore>, window_params = [{transform_indices = #map}, {transform_indices = #map1}]} {
    %mul3A = arith.constant 2 : i32
    %mul3A_0 = arith.muli %arg1, %mul3A : i32
    %add3A = arith.addi %mul3A_0, %arg0 : i32
    %lt3A = arith.constant 4 : i32
    %lt3A_1 = arith.cmpi slt, %add3A, %lt3A : i32
    %jit3A = arith.constant 1 : i32
    %jit3A_2 = arith.constant 0 : i32
    %select_n3A = arith.select %lt3A_1, %jit3A, %jit3A_2 : i32
    %add3A_3 = arith.constant 244 : i32
    %add3A_4 = arith.addi %add3A_3, %select_n3A : i32
    %gt3A = arith.constant 0 : i32
    %gt3A_5 = arith.cmpi sgt, %add3A_4, %gt3A : i32
    %convert_element_type3A = arith.extui %gt3A_5 : i1 to i32
    %cond3A = arith.constant 0 : i32
    %cond3A_6 = arith.cmpi ne, %convert_element_type3A, %cond3A : i32
    scf.if %cond3A_6 {
      %add3A_26 = arith.constant 0 : i32
      %add3A_27 = arith.addi %add3A, %add3A_26 : i32
      %mul3A_28 = arith.constant 128 : i32
      %mul3A_29 = arith.muli %add3A_27, %mul3A_28 : i32
      %dma_start3A = arith.constant 0 : i32
      %dma_start3A_30 = tpu.memref_slice %arg2[%dma_start3A, %mul3A_29] : memref<32x1000000xf32, #tpu.memory_space<hbm>> -> memref<32x128xf32, #tpu.memory_space<hbm>>
      %dma_start3A_31 = arith.constant 0 : i32
      %dma_start3A_32 = tpu.memref_slice %arg2[%dma_start3A_31, %mul3A_29] : memref<32x1000000xf32, #tpu.memory_space<hbm>> -> memref<32x128xf32, #tpu.memory_space<hbm>>
      tpu.enqueue_dma source(%dma_start3A_32 : memref<32x128xf32, #tpu.memory_space<hbm>>) target(%arg4 : memref<32x128xf32, #tpu.memory_space<vmem>>) target_semaphore(%arg9 : memref<!tpu.dma_semaphore, #tpu.memory_space<semaphore_mem>>)
    } else {
    }
    %scan3A = arith.constant 0 : i32
    %scan3A_7 = arith.constant 0 : i32
    %scan3A_8 = arith.constant 123 : i32
    %scan3A_9 = arith.addi %scan3A_7, %scan3A_8 : i32
    %scan3A_10 = arith.constant 1 : i32
    scf.for %scan3A_26 = %scan3A_7 to %scan3A_9 step %scan3A_10  : i32 {
      %mul3A_27 = arith.constant 2 : i32
      %mul3A_28 = arith.muli %mul3A_27, %scan3A_26 : i32
      %add3A_29 = arith.constant 1 : i32
      %add3A_30 = arith.addi %mul3A_28, %add3A_29 : i32
      %lt3A_31 = arith.cmpi slt, %add3A_30, %add3A_4 : i32
      %convert_element_type3A_32 = arith.extui %lt3A_31 : i1 to i32
      %cond3A_33 = arith.constant 0 : i32
      %cond3A_34 = arith.cmpi ne, %convert_element_type3A_32, %cond3A_33 : i32
      scf.if %cond3A_34 {
        %mul3A_81 = arith.constant 32 : i32
        %mul3A_82 = arith.muli %mul3A_81, %add3A_30 : i32
        %add3A_83 = arith.addi %add3A, %mul3A_82 : i32
        %mul3A_84 = arith.constant 128 : i32
        %mul3A_85 = arith.muli %add3A_83, %mul3A_84 : i32
        %dma_start3A = arith.constant 0 : i32
        %dma_start3A_86 = tpu.memref_slice %arg2[%dma_start3A, %mul3A_85] : memref<32x1000000xf32, #tpu.memory_space<hbm>> -> memref<32x128xf32, #tpu.memory_space<hbm>>
        %dma_start3A_87 = arith.constant 0 : i32
        %dma_start3A_88 = tpu.memref_slice %arg2[%dma_start3A_87, %mul3A_85] : memref<32x1000000xf32, #tpu.memory_space<hbm>> -> memref<32x128xf32, #tpu.memory_space<hbm>>
        tpu.enqueue_dma source(%dma_start3A_88 : memref<32x128xf32, #tpu.memory_space<hbm>>) target(%arg5 : memref<32x128xf32, #tpu.memory_space<vmem>>) target_semaphore(%arg10 : memref<!tpu.dma_semaphore, #tpu.memory_space<semaphore_mem>>)
      } else {
      }
      %gt3A_35 = arith.constant 0 : i32
      %gt3A_36 = arith.cmpi sgt, %scan3A_26, %gt3A_35 : i32
      %sub3A = arith.constant 2 : i32
      %sub3A_37 = arith.subi %mul3A_28, %sub3A : i32
      %lt3A_38 = arith.cmpi slt, %sub3A_37, %add3A_4 : i32
      %and3A = arith.andi %gt3A_36, %lt3A_38 : i1
      %convert_element_type3A_39 = arith.extui %and3A : i1 to i32
      %cond3A_40 = arith.constant 0 : i32
      %cond3A_41 = arith.cmpi ne, %convert_element_type3A_39, %cond3A_40 : i32
      scf.if %cond3A_41 {
        %dma_wait3A = arith.constant 0 : i32
        %dma_wait3A_81 = tpu.memref_slice %arg3[%dma_wait3A] : memref<32000000xf32, #tpu.memory_space<hbm>> -> memref<4096xf32, #tpu.memory_space<hbm>>
        %dma_wait3A_82 = arith.constant 0 : i32
        %dma_wait3A_83 = tpu.memref_slice %arg3[%dma_wait3A_82] : memref<32000000xf32, #tpu.memory_space<hbm>> -> memref<4096xf32, #tpu.memory_space<hbm>>
        tpu.wait_dma2 semaphore(%arg11 : memref<!tpu.dma_semaphore, #tpu.memory_space<semaphore_mem>>) src(%arg6 : memref<4096xf32, #tpu.memory_space<vmem>>) dst(%dma_wait3A_83 : memref<4096xf32, #tpu.memory_space<hbm>>)
      } else {
      }
      %lt3A_42 = arith.cmpi slt, %mul3A_28, %add3A_4 : i32
      %convert_element_type3A_43 = arith.extui %lt3A_42 : i1 to i32
      %cond3A_44 = arith.constant 0 : i32
      %cond3A_45 = arith.cmpi ne, %convert_element_type3A_43, %cond3A_44 : i32
      scf.if %cond3A_45 {
        %dma_wait3A = arith.constant 0 : i32
        %dma_wait3A_81 = arith.constant 0 : i32
        %dma_wait3A_82 = tpu.memref_slice %arg2[%dma_wait3A, %dma_wait3A_81] : memref<32x1000000xf32, #tpu.memory_space<hbm>> -> memref<32x128xf32, #tpu.memory_space<hbm>>
        %dma_wait3A_83 = arith.constant 0 : i32
        %dma_wait3A_84 = arith.constant 0 : i32
        %dma_wait3A_85 = tpu.memref_slice %arg2[%dma_wait3A_83, %dma_wait3A_84] : memref<32x1000000xf32, #tpu.memory_space<hbm>> -> memref<32x128xf32, #tpu.memory_space<hbm>>
        tpu.wait_dma2 semaphore(%arg9 : memref<!tpu.dma_semaphore, #tpu.memory_space<semaphore_mem>>) src(%dma_wait3A_85 : memref<32x128xf32, #tpu.memory_space<hbm>>) dst(%arg4 : memref<32x128xf32, #tpu.memory_space<vmem>>)
      } else {
      }
      %lt3A_46 = arith.cmpi slt, %mul3A_28, %add3A_4 : i32
      %convert_element_type3A_47 = arith.extui %lt3A_46 : i1 to i32
      %cond3A_48 = arith.constant 0 : i32
      %cond3A_49 = arith.cmpi ne, %convert_element_type3A_47, %cond3A_48 : i32
      scf.if %cond3A_49 {
        %iota3A = tpu.iota {dimensions = array<i32: 0>} : vector<16xi32>
        %add3A_81 = arith.constant 0 : i32
        %add3A_82 = vector.broadcast %add3A_81 : i32 to vector<16xi32>
        %add3A_83 = arith.addi %iota3A, %add3A_82 : vector<16xi32>
        %iota3A_84 = tpu.iota {dimensions = array<i32: 0>} : vector<16xi32>
        %add3A_85 = arith.constant 16 : i32
        %add3A_86 = vector.broadcast %add3A_85 : i32 to vector<16xi32>
        %add3A_87 = arith.addi %iota3A_84, %add3A_86 : vector<16xi32>
        %parallel_loop3A = arith.constant 0 : i32
        %parallel_loop3A_88 = arith.constant 128 : i32
        %parallel_loop3A_89 = arith.constant 1 : i32
        scf.for %parallel_loop3A_90 = %parallel_loop3A to %parallel_loop3A_88 step %parallel_loop3A_89  : i32 {
          %parallel_loop3A_91 = arith.constant 0 : i32
          %parallel_loop3A_92 = vector.broadcast %parallel_loop3A_91 : i32 to vector<16xi32>
          %parallel_loop3A_93 = vector.broadcast %parallel_loop3A_90 : i32 to vector<16xi32>
          %parallel_loop3A_94 = arith.addi %parallel_loop3A_92, %parallel_loop3A_93 : vector<16xi32>
          %parallel_loop3A_95 = tpu.vector_load_idx %arg4[%add3A_83, %parallel_loop3A_94] : memref<32x128xf32, #tpu.memory_space<vmem>>[vector<16xi32>, vector<16xi32>], vector<16xf32>,
          %parallel_loop3A_96 = arith.constant 32 : i32
          %parallel_loop3A_97 = arith.muli %parallel_loop3A_96, %parallel_loop3A_90 : i32
          %parallel_loop3A_98 = arith.constant 0 : i32
          %parallel_loop3A_99 = arith.addi %parallel_loop3A_97, %parallel_loop3A_98 : i32
          %parallel_loop3A_100 = arith.index_cast %parallel_loop3A_99 : i32 to index
          %parallel_loop3A_101 = tpu.vector_load %arg6[%parallel_loop3A_100] {strides = array<i32>} : memref<4096xf32, #tpu.memory_space<vmem>>, vector<16xf32>,
          tpu.vector_store %arg6[%parallel_loop3A_100], %parallel_loop3A_95 {strides = array<i32>} : memref<4096xf32, #tpu.memory_space<vmem>>, vector<16xf32>,
          %parallel_loop3A_102 = tpu.vector_load_idx %arg4[%add3A_87, %parallel_loop3A_94] : memref<32x128xf32, #tpu.memory_space<vmem>>[vector<16xi32>, vector<16xi32>], vector<16xf32>,
          %parallel_loop3A_103 = arith.constant 32 : i32
          %parallel_loop3A_104 = arith.muli %parallel_loop3A_103, %parallel_loop3A_90 : i32
          %parallel_loop3A_105 = arith.constant 16 : i32
          %parallel_loop3A_106 = arith.addi %parallel_loop3A_104, %parallel_loop3A_105 : i32
          %parallel_loop3A_107 = arith.index_cast %parallel_loop3A_106 : i32 to index
          %parallel_loop3A_108 = tpu.vector_load %arg6[%parallel_loop3A_107] {strides = array<i32>} : memref<4096xf32, #tpu.memory_space<vmem>>, vector<16xf32>,
          tpu.vector_store %arg6[%parallel_loop3A_107], %parallel_loop3A_102 {strides = array<i32>} : memref<4096xf32, #tpu.memory_space<vmem>>, vector<16xf32>,
        } {sc.loop_unroll_factor = 16 : i64, sc.parallel_access}
      } else {
      }
      %lt3A_50 = arith.cmpi slt, %mul3A_28, %add3A_4 : i32
      %convert_element_type3A_51 = arith.extui %lt3A_50 : i1 to i32
      %cond3A_52 = arith.constant 0 : i32
      %cond3A_53 = arith.cmpi ne, %convert_element_type3A_51, %cond3A_52 : i32
      scf.if %cond3A_53 {
        %mul3A_81 = arith.constant 32 : i32
        %mul3A_82 = arith.muli %mul3A_81, %mul3A_28 : i32
        %add3A_83 = arith.addi %add3A, %mul3A_82 : i32
        %mul3A_84 = arith.constant 4096 : i32
        %mul3A_85 = arith.muli %add3A_83, %mul3A_84 : i32
        %dma_start3A = tpu.memref_slice %arg3[%mul3A_85] : memref<32000000xf32, #tpu.memory_space<hbm>> -> memref<4096xf32, #tpu.memory_space<hbm>>
        %dma_start3A_86 = tpu.memref_slice %arg3[%mul3A_85] : memref<32000000xf32, #tpu.memory_space<hbm>> -> memref<4096xf32, #tpu.memory_space<hbm>>
        tpu.enqueue_dma source(%arg6 : memref<4096xf32, #tpu.memory_space<vmem>>) target(%dma_start3A_86 : memref<4096xf32, #tpu.memory_space<hbm>>) target_semaphore(%arg11 : memref<!tpu.dma_semaphore, #tpu.memory_space<semaphore_mem>>)
      } else {
      }
      %add3A_54 = arith.constant 2 : i32
      %add3A_55 = arith.addi %mul3A_28, %add3A_54 : i32
      %lt3A_56 = arith.cmpi slt, %add3A_55, %add3A_4 : i32
      %convert_element_type3A_57 = arith.extui %lt3A_56 : i1 to i32
      %cond3A_58 = arith.constant 0 : i32
      %cond3A_59 = arith.cmpi ne, %convert_element_type3A_57, %cond3A_58 : i32
      scf.if %cond3A_59 {
        %mul3A_81 = arith.constant 32 : i32
        %mul3A_82 = arith.muli %mul3A_81, %add3A_55 : i32
        %add3A_83 = arith.addi %add3A, %mul3A_82 : i32
        %mul3A_84 = arith.constant 128 : i32
        %mul3A_85 = arith.muli %add3A_83, %mul3A_84 : i32
        %dma_start3A = arith.constant 0 : i32
        %dma_start3A_86 = tpu.memref_slice %arg2[%dma_start3A, %mul3A_85] : memref<32x1000000xf32, #tpu.memory_space<hbm>> -> memref<32x128xf32, #tpu.memory_space<hbm>>
        %dma_start3A_87 = arith.constant 0 : i32
        %dma_start3A_88 = tpu.memref_slice %arg2[%dma_start3A_87, %mul3A_85] : memref<32x1000000xf32, #tpu.memory_space<hbm>> -> memref<32x128xf32, #tpu.memory_space<hbm>>
        tpu.enqueue_dma source(%dma_start3A_88 : memref<32x128xf32, #tpu.memory_space<hbm>>) target(%arg4 : memref<32x128xf32, #tpu.memory_space<vmem>>) target_semaphore(%arg9 : memref<!tpu.dma_semaphore, #tpu.memory_space<semaphore_mem>>)
      } else {
      }
      %gt3A_60 = arith.constant 0 : i32
      %gt3A_61 = arith.cmpi sgt, %scan3A_26, %gt3A_60 : i32
      %sub3A_62 = arith.constant 2 : i32
      %sub3A_63 = arith.subi %add3A_30, %sub3A_62 : i32
      %lt3A_64 = arith.cmpi slt, %sub3A_63, %add3A_4 : i32
      %and3A_65 = arith.andi %gt3A_61, %lt3A_64 : i1
      %convert_element_type3A_66 = arith.extui %and3A_65 : i1 to i32
      %cond3A_67 = arith.constant 0 : i32
      %cond3A_68 = arith.cmpi ne, %convert_element_type3A_66, %cond3A_67 : i32
      scf.if %cond3A_68 {
        %dma_wait3A = arith.constant 0 : i32
        %dma_wait3A_81 = tpu.memref_slice %arg3[%dma_wait3A] : memref<32000000xf32, #tpu.memory_space<hbm>> -> memref<4096xf32, #tpu.memory_space<hbm>>
        %dma_wait3A_82 = arith.constant 0 : i32
        %dma_wait3A_83 = tpu.memref_slice %arg3[%dma_wait3A_82] : memref<32000000xf32, #tpu.memory_space<hbm>> -> memref<4096xf32, #tpu.memory_space<hbm>>
        tpu.wait_dma2 semaphore(%arg12 : memref<!tpu.dma_semaphore, #tpu.memory_space<semaphore_mem>>) src(%arg7 : memref<4096xf32, #tpu.memory_space<vmem>>) dst(%dma_wait3A_83 : memref<4096xf32, #tpu.memory_space<hbm>>)
      } else {
      }
      %lt3A_69 = arith.cmpi slt, %add3A_30, %add3A_4 : i32
      %convert_element_type3A_70 = arith.extui %lt3A_69 : i1 to i32
      %cond3A_71 = arith.constant 0 : i32
      %cond3A_72 = arith.cmpi ne, %convert_element_type3A_70, %cond3A_71 : i32
      scf.if %cond3A_72 {
        %dma_wait3A = arith.constant 0 : i32
        %dma_wait3A_81 = arith.constant 0 : i32
        %dma_wait3A_82 = tpu.memref_slice %arg2[%dma_wait3A, %dma_wait3A_81] : memref<32x1000000xf32, #tpu.memory_space<hbm>> -> memref<32x128xf32, #tpu.memory_space<hbm>>
        %dma_wait3A_83 = arith.constant 0 : i32
        %dma_wait3A_84 = arith.constant 0 : i32
        %dma_wait3A_85 = tpu.memref_slice %arg2[%dma_wait3A_83, %dma_wait3A_84] : memref<32x1000000xf32, #tpu.memory_space<hbm>> -> memref<32x128xf32, #tpu.memory_space<hbm>>
        tpu.wait_dma2 semaphore(%arg10 : memref<!tpu.dma_semaphore, #tpu.memory_space<semaphore_mem>>) src(%dma_wait3A_85 : memref<32x128xf32, #tpu.memory_space<hbm>>) dst(%arg5 : memref<32x128xf32, #tpu.memory_space<vmem>>)
      } else {
      }
      %lt3A_73 = arith.cmpi slt, %add3A_30, %add3A_4 : i32
      %convert_element_type3A_74 = arith.extui %lt3A_73 : i1 to i32
      %cond3A_75 = arith.constant 0 : i32
      %cond3A_76 = arith.cmpi ne, %convert_element_type3A_74, %cond3A_75 : i32
      scf.if %cond3A_76 {
        %iota3A = tpu.iota {dimensions = array<i32: 0>} : vector<16xi32>
        %add3A_81 = arith.constant 0 : i32
        %add3A_82 = vector.broadcast %add3A_81 : i32 to vector<16xi32>
        %add3A_83 = arith.addi %iota3A, %add3A_82 : vector<16xi32>
        %iota3A_84 = tpu.iota {dimensions = array<i32: 0>} : vector<16xi32>
        %add3A_85 = arith.constant 16 : i32
        %add3A_86 = vector.broadcast %add3A_85 : i32 to vector<16xi32>
        %add3A_87 = arith.addi %iota3A_84, %add3A_86 : vector<16xi32>
        %parallel_loop3A = arith.constant 0 : i32
        %parallel_loop3A_88 = arith.constant 128 : i32
        %parallel_loop3A_89 = arith.constant 1 : i32
        scf.for %parallel_loop3A_90 = %parallel_loop3A to %parallel_loop3A_88 step %parallel_loop3A_89  : i32 {
          %parallel_loop3A_91 = arith.constant 0 : i32
          %parallel_loop3A_92 = vector.broadcast %parallel_loop3A_91 : i32 to vector<16xi32>
          %parallel_loop3A_93 = vector.broadcast %parallel_loop3A_90 : i32 to vector<16xi32>
          %parallel_loop3A_94 = arith.addi %parallel_loop3A_92, %parallel_loop3A_93 : vector<16xi32>
          %parallel_loop3A_95 = tpu.vector_load_idx %arg5[%add3A_83, %parallel_loop3A_94] : memref<32x128xf32, #tpu.memory_space<vmem>>[vector<16xi32>, vector<16xi32>], vector<16xf32>,
          %parallel_loop3A_96 = arith.constant 32 : i32
          %parallel_loop3A_97 = arith.muli %parallel_loop3A_96, %parallel_loop3A_90 : i32
          %parallel_loop3A_98 = arith.constant 0 : i32
          %parallel_loop3A_99 = arith.addi %parallel_loop3A_97, %parallel_loop3A_98 : i32
          %parallel_loop3A_100 = arith.index_cast %parallel_loop3A_99 : i32 to index
          %parallel_loop3A_101 = tpu.vector_load %arg7[%parallel_loop3A_100] {strides = array<i32>} : memref<4096xf32, #tpu.memory_space<vmem>>, vector<16xf32>,
          tpu.vector_store %arg7[%parallel_loop3A_100], %parallel_loop3A_95 {strides = array<i32>} : memref<4096xf32, #tpu.memory_space<vmem>>, vector<16xf32>,
          %parallel_loop3A_102 = tpu.vector_load_idx %arg5[%add3A_87, %parallel_loop3A_94] : memref<32x128xf32, #tpu.memory_space<vmem>>[vector<16xi32>, vector<16xi32>], vector<16xf32>,
          %parallel_loop3A_103 = arith.constant 32 : i32
          %parallel_loop3A_104 = arith.muli %parallel_loop3A_103, %parallel_loop3A_90 : i32
          %parallel_loop3A_105 = arith.constant 16 : i32
          %parallel_loop3A_106 = arith.addi %parallel_loop3A_104, %parallel_loop3A_105 : i32
          %parallel_loop3A_107 = arith.index_cast %parallel_loop3A_106 : i32 to index
          %parallel_loop3A_108 = tpu.vector_load %arg7[%parallel_loop3A_107] {strides = array<i32>} : memref<4096xf32, #tpu.memory_space<vmem>>, vector<16xf32>,
          tpu.vector_store %arg7[%parallel_loop3A_107], %parallel_loop3A_102 {strides = array<i32>} : memref<4096xf32, #tpu.memory_space<vmem>>, vector<16xf32>,
        } {sc.loop_unroll_factor = 16 : i64, sc.parallel_access}
      } else {
      }
      %lt3A_77 = arith.cmpi slt, %add3A_30, %add3A_4 : i32
      %convert_element_type3A_78 = arith.extui %lt3A_77 : i1 to i32
      %cond3A_79 = arith.constant 0 : i32
      %cond3A_80 = arith.cmpi ne, %convert_element_type3A_78, %cond3A_79 : i32
      scf.if %cond3A_80 {
        %mul3A_81 = arith.constant 32 : i32
        %mul3A_82 = arith.muli %mul3A_81, %add3A_30 : i32
        %add3A_83 = arith.addi %add3A, %mul3A_82 : i32
        %mul3A_84 = arith.constant 4096 : i32
        %mul3A_85 = arith.muli %add3A_83, %mul3A_84 : i32
        %dma_start3A = tpu.memref_slice %arg3[%mul3A_85] : memref<32000000xf32, #tpu.memory_space<hbm>> -> memref<4096xf32, #tpu.memory_space<hbm>>
        %dma_start3A_86 = tpu.memref_slice %arg3[%mul3A_85] : memref<32000000xf32, #tpu.memory_space<hbm>> -> memref<4096xf32, #tpu.memory_space<hbm>>
        tpu.enqueue_dma source(%arg7 : memref<4096xf32, #tpu.memory_space<vmem>>) target(%dma_start3A_86 : memref<4096xf32, #tpu.memory_space<hbm>>) target_semaphore(%arg12 : memref<!tpu.dma_semaphore, #tpu.memory_space<semaphore_mem>>)
      } else {
      }
    }
    %scan3A_11 = arith.constant 123 : i32
    %gt3A_12 = arith.constant 244 : i32
    %gt3A_13 = arith.cmpi sgt, %add3A_4, %gt3A_12 : i32
    %convert_element_type3A_14 = arith.extui %gt3A_13 : i1 to i32
    %cond3A_15 = arith.constant 0 : i32
    %cond3A_16 = arith.cmpi ne, %convert_element_type3A_14, %cond3A_15 : i32
    scf.if %cond3A_16 {
      %dma_wait3A = arith.constant 0 : i32
      %dma_wait3A_26 = tpu.memref_slice %arg3[%dma_wait3A] : memref<32000000xf32, #tpu.memory_space<hbm>> -> memref<4096xf32, #tpu.memory_space<hbm>>
      %dma_wait3A_27 = arith.constant 0 : i32
      %dma_wait3A_28 = tpu.memref_slice %arg3[%dma_wait3A_27] : memref<32000000xf32, #tpu.memory_space<hbm>> -> memref<4096xf32, #tpu.memory_space<hbm>>
      tpu.wait_dma2 semaphore(%arg11 : memref<!tpu.dma_semaphore, #tpu.memory_space<semaphore_mem>>) src(%arg6 : memref<4096xf32, #tpu.memory_space<vmem>>) dst(%dma_wait3A_28 : memref<4096xf32, #tpu.memory_space<hbm>>)
    } else {
    }
    %gt3A_17 = arith.constant 245 : i32
    %gt3A_18 = arith.cmpi sgt, %add3A_4, %gt3A_17 : i32
    %convert_element_type3A_19 = arith.extui %gt3A_18 : i1 to i32
    %cond3A_20 = arith.constant 0 : i32
    %cond3A_21 = arith.cmpi ne, %convert_element_type3A_19, %cond3A_20 : i32
    scf.if %cond3A_21 {
      %dma_wait3A = arith.constant 0 : i32
      %dma_wait3A_26 = tpu.memref_slice %arg3[%dma_wait3A] : memref<32000000xf32, #tpu.memory_space<hbm>> -> memref<4096xf32, #tpu.memory_space<hbm>>
      %dma_wait3A_27 = arith.constant 0 : i32
      %dma_wait3A_28 = tpu.memref_slice %arg3[%dma_wait3A_27] : memref<32000000xf32, #tpu.memory_space<hbm>> -> memref<4096xf32, #tpu.memory_space<hbm>>
      tpu.wait_dma2 semaphore(%arg12 : memref<!tpu.dma_semaphore, #tpu.memory_space<semaphore_mem>>) src(%arg7 : memref<4096xf32, #tpu.memory_space<vmem>>) dst(%dma_wait3A_28 : memref<4096xf32, #tpu.memory_space<hbm>>)
    } else {
    }
    %eq3A = arith.constant 4 : i32
    %eq3A_22 = arith.cmpi eq, %add3A, %eq3A : i32
    %convert_element_type3A_23 = arith.extui %eq3A_22 : i1 to i32
    %cond3A_24 = arith.constant 0 : i32
    %cond3A_25 = arith.cmpi ne, %convert_element_type3A_23, %cond3A_24 : i32
    scf.if %cond3A_25 {
      "tpu.region"() ({
        %run_scoped3A = tpu.sem_alloc : memref<!tpu.dma_semaphore, #tpu.memory_space<semaphore_mem>>
        %dma_start3A = arith.constant 0 : i32
        %dma_start3A_35 = arith.constant 999936 : i32
        %dma_start3A_36 = tpu.memref_slice %arg2[%dma_start3A, %dma_start3A_35] : memref<32x1000000xf32, #tpu.memory_space<hbm>> -> memref<32x64xf32, #tpu.memory_space<hbm>>
        %dma_start3A_37 = arith.constant 0 : i32
        %dma_start3A_38 = arith.constant 999936 : i32
        %dma_start3A_39 = tpu.memref_slice %arg2[%dma_start3A_37, %dma_start3A_38] : memref<32x1000000xf32, #tpu.memory_space<hbm>> -> memref<32x64xf32, #tpu.memory_space<hbm>>
        tpu.enqueue_dma source(%dma_start3A_39 : memref<32x64xf32, #tpu.memory_space<hbm>>) target(%arg8 : memref<32x64xf32, #tpu.memory_space<vmem>>) target_semaphore(%run_scoped3A : memref<!tpu.dma_semaphore, #tpu.memory_space<semaphore_mem>>)
        %dma_wait3A = arith.constant 0 : i32
        %dma_wait3A_40 = arith.constant 999936 : i32
        %dma_wait3A_41 = tpu.memref_slice %arg2[%dma_wait3A, %dma_wait3A_40] : memref<32x1000000xf32, #tpu.memory_space<hbm>> -> memref<32x64xf32, #tpu.memory_space<hbm>>
        %dma_wait3A_42 = arith.constant 0 : i32
        %dma_wait3A_43 = arith.constant 999936 : i32
        %dma_wait3A_44 = tpu.memref_slice %arg2[%dma_wait3A_42, %dma_wait3A_43] : memref<32x1000000xf32, #tpu.memory_space<hbm>> -> memref<32x64xf32, #tpu.memory_space<hbm>>
        tpu.wait_dma2 semaphore(%run_scoped3A : memref<!tpu.dma_semaphore, #tpu.memory_space<semaphore_mem>>) src(%dma_wait3A_44 : memref<32x64xf32, #tpu.memory_space<hbm>>) dst(%arg8 : memref<32x64xf32, #tpu.memory_space<vmem>>)
        tpu.yield
      }) : () -> ()
      %iota3A = tpu.iota {dimensions = array<i32: 0>} : vector<16xi32>
      %add3A_26 = arith.constant 0 : i32
      %add3A_27 = vector.broadcast %add3A_26 : i32 to vector<16xi32>
      %add3A_28 = arith.addi %iota3A, %add3A_27 : vector<16xi32>
      %iota3A_29 = tpu.iota {dimensions = array<i32: 0>} : vector<16xi32>
      %add3A_30 = arith.constant 16 : i32
      %add3A_31 = vector.broadcast %add3A_30 : i32 to vector<16xi32>
      %add3A_32 = arith.addi %iota3A_29, %add3A_31 : vector<16xi32>
      %parallel_loop3A = arith.constant 0 : i32
      %parallel_loop3A_33 = arith.constant 64 : i32
      %parallel_loop3A_34 = arith.constant 1 : i32
      scf.for %parallel_loop3A_35 = %parallel_loop3A to %parallel_loop3A_33 step %parallel_loop3A_34  : i32 {
        %parallel_loop3A_36 = arith.constant 0 : i32
        %parallel_loop3A_37 = vector.broadcast %parallel_loop3A_36 : i32 to vector<16xi32>
        %parallel_loop3A_38 = vector.broadcast %parallel_loop3A_35 : i32 to vector<16xi32>
        %parallel_loop3A_39 = arith.addi %parallel_loop3A_37, %parallel_loop3A_38 : vector<16xi32>
        %parallel_loop3A_40 = tpu.vector_load_idx %arg8[%add3A_28, %parallel_loop3A_39] : memref<32x64xf32, #tpu.memory_space<vmem>>[vector<16xi32>, vector<16xi32>], vector<16xf32>,
        %parallel_loop3A_41 = arith.constant 32 : i32
        %parallel_loop3A_42 = arith.muli %parallel_loop3A_41, %parallel_loop3A_35 : i32
        %parallel_loop3A_43 = arith.constant 0 : i32
        %parallel_loop3A_44 = arith.addi %parallel_loop3A_42, %parallel_loop3A_43 : i32
        %parallel_loop3A_45 = arith.index_cast %parallel_loop3A_44 : i32 to index
        %parallel_loop3A_46 = tpu.vector_load %arg6[%parallel_loop3A_45] {strides = array<i32>} : memref<4096xf32, #tpu.memory_space<vmem>>, vector<16xf32>,
        tpu.vector_store %arg6[%parallel_loop3A_45], %parallel_loop3A_40 {strides = array<i32>} : memref<4096xf32, #tpu.memory_space<vmem>>, vector<16xf32>,
        %parallel_loop3A_47 = tpu.vector_load_idx %arg8[%add3A_32, %parallel_loop3A_39] : memref<32x64xf32, #tpu.memory_space<vmem>>[vector<16xi32>, vector<16xi32>], vector<16xf32>,
        %parallel_loop3A_48 = arith.constant 32 : i32
        %parallel_loop3A_49 = arith.muli %parallel_loop3A_48, %parallel_loop3A_35 : i32
        %parallel_loop3A_50 = arith.constant 16 : i32
        %parallel_loop3A_51 = arith.addi %parallel_loop3A_49, %parallel_loop3A_50 : i32
        %parallel_loop3A_52 = arith.index_cast %parallel_loop3A_51 : i32 to index
        %parallel_loop3A_53 = tpu.vector_load %arg6[%parallel_loop3A_52] {strides = array<i32>} : memref<4096xf32, #tpu.memory_space<vmem>>, vector<16xf32>,
        tpu.vector_store %arg6[%parallel_loop3A_52], %parallel_loop3A_47 {strides = array<i32>} : memref<4096xf32, #tpu.memory_space<vmem>>, vector<16xf32>,
      } {sc.loop_unroll_factor = 16 : i64, sc.parallel_access}
      "tpu.region"() ({
        %run_scoped3A = tpu.sem_alloc : memref<!tpu.dma_semaphore, #tpu.memory_space<semaphore_mem>>
        %dma_start3A = arith.constant 0 : i32
        %dma_start3A_35 = tpu.memref_slice %arg6[%dma_start3A] : memref<4096xf32, #tpu.memory_space<vmem>> -> memref<2048xf32, #tpu.memory_space<vmem>>
        %dma_start3A_36 = arith.constant 31997952 : i32
        %dma_start3A_37 = tpu.memref_slice %arg3[%dma_start3A_36] : memref<32000000xf32, #tpu.memory_space<hbm>> -> memref<2048xf32, #tpu.memory_space<hbm>>
        %dma_start3A_38 = arith.constant 31997952 : i32
        %dma_start3A_39 = tpu.memref_slice %arg3[%dma_start3A_38] : memref<32000000xf32, #tpu.memory_space<hbm>> -> memref<2048xf32, #tpu.memory_space<hbm>>
        %dma_start3A_40 = arith.constant 0 : i32
        %dma_start3A_41 = tpu.memref_slice %arg6[%dma_start3A_40] : memref<4096xf32, #tpu.memory_space<vmem>> -> memref<2048xf32, #tpu.memory_space<vmem>>
        tpu.enqueue_dma source(%dma_start3A_41 : memref<2048xf32, #tpu.memory_space<vmem>>) target(%dma_start3A_39 : memref<2048xf32, #tpu.memory_space<hbm>>) target_semaphore(%run_scoped3A : memref<!tpu.dma_semaphore, #tpu.memory_space<semaphore_mem>>)
        %dma_wait3A = arith.constant 0 : i32
        %dma_wait3A_42 = tpu.memref_slice %arg6[%dma_wait3A] : memref<4096xf32, #tpu.memory_space<vmem>> -> memref<2048xf32, #tpu.memory_space<vmem>>
        %dma_wait3A_43 = arith.constant 31997952 : i32
        %dma_wait3A_44 = tpu.memref_slice %arg3[%dma_wait3A_43] : memref<32000000xf32, #tpu.memory_space<hbm>> -> memref<2048xf32, #tpu.memory_space<hbm>>
        %dma_wait3A_45 = arith.constant 31997952 : i32
        %dma_wait3A_46 = tpu.memref_slice %arg3[%dma_wait3A_45] : memref<32000000xf32, #tpu.memory_space<hbm>> -> memref<2048xf32, #tpu.memory_space<hbm>>
        %dma_wait3A_47 = arith.constant 0 : i32
        %dma_wait3A_48 = tpu.memref_slice %arg6[%dma_wait3A_47] : memref<4096xf32, #tpu.memory_space<vmem>> -> memref<2048xf32, #tpu.memory_space<vmem>>
        tpu.wait_dma2 semaphore(%run_scoped3A : memref<!tpu.dma_semaphore, #tpu.memory_space<semaphore_mem>>) src(%dma_wait3A_48 : memref<2048xf32, #tpu.memory_space<vmem>>) dst(%dma_wait3A_46 : memref<2048xf32, #tpu.memory_space<hbm>>)
        tpu.yield
      }) : () -> ()
    } else {
    }
    return
  }
}

#map = affine_map<(d0, d1) -> (0, 0)>
#map1 = affine_map<(d0, d1) -> (0)>
module attributes {stable_mosaic.version = 14 : i64} {
  func.func @k(%arg0: i32, %arg1: i32, %arg2: memref<1000000x32xf32, #tpu.memory_space<hbm>>, %arg3: memref<204800xi32, #tpu.memory_space<hbm>>, %arg4: memref<204800x32xf32, #tpu.memory_space<hbm>>, %arg5: memref<1600xi32, #tpu.memory_space<vmem>>, %arg6: memref<1600x32xf32, #tpu.memory_space<vmem>>, %arg7: memref<!tpu.dma_semaphore, #tpu.memory_space<semaphore_mem>>) attributes {dimension_semantics = [#tpu.dimension_semantics<core_parallel>, #tpu.dimension_semantics<subcore_parallel>], iteration_bounds = array<i64: 2, 16>, scalar_prefetch = 0 : i64, scratch_operands = 3 : i64, tpu.core_type = #tpu.core_type<sc_vector_subcore>, window_params = [{transform_indices = #map}, {transform_indices = #map1}, {transform_indices = #map}]} {
    %mul3A = arith.constant 2 : i32
    %mul3A_0 = arith.muli %arg1, %mul3A : i32
    %add3A = arith.addi %mul3A_0, %arg0 : i32
    %mul3A_1 = arith.constant 6400 : i32
    %mul3A_2 = arith.muli %add3A, %mul3A_1 : i32
    %add3A_3 = arith.constant 0 : i32
    %add3A_4 = arith.addi %mul3A_2, %add3A_3 : i32
    "tpu.region"() ({
      %run_scoped3A = tpu.sem_alloc : memref<!tpu.dma_semaphore, #tpu.memory_space<semaphore_mem>>
      %dma_start3A_33 = tpu.memref_slice %arg3[%add3A_4] : memref<204800xi32, #tpu.memory_space<hbm>> -> memref<1600xi32, #tpu.memory_space<hbm>>
      %dma_start3A_34 = tpu.memref_slice %arg3[%add3A_4] : memref<204800xi32, #tpu.memory_space<hbm>> -> memref<1600xi32, #tpu.memory_space<hbm>>
      tpu.enqueue_dma source(%dma_start3A_34 : memref<1600xi32, #tpu.memory_space<hbm>>) target(%arg5 : memref<1600xi32, #tpu.memory_space<vmem>>) target_semaphore(%run_scoped3A : memref<!tpu.dma_semaphore, #tpu.memory_space<semaphore_mem>>)
      %dma_wait3A_35 = tpu.memref_slice %arg3[%add3A_4] : memref<204800xi32, #tpu.memory_space<hbm>> -> memref<1600xi32, #tpu.memory_space<hbm>>
      %dma_wait3A_36 = tpu.memref_slice %arg3[%add3A_4] : memref<204800xi32, #tpu.memory_space<hbm>> -> memref<1600xi32, #tpu.memory_space<hbm>>
      tpu.wait_dma2 semaphore(%run_scoped3A : memref<!tpu.dma_semaphore, #tpu.memory_space<semaphore_mem>>) src(%dma_wait3A_36 : memref<1600xi32, #tpu.memory_space<hbm>>) dst(%arg5 : memref<1600xi32, #tpu.memory_space<vmem>>)
      tpu.yield
    }) : () -> ()
    %dma_start3A = arith.constant 0 : i32
    %dma_start3A_5 = arith.constant 0 : i32
    %dma_start3A_6 = tpu.memref_slice %arg2[%dma_start3A, %dma_start3A_5] : memref<1000000x32xf32, #tpu.memory_space<hbm>> -> memref<1000000x32xf32, #tpu.memory_space<hbm>>
    tpu.enqueue_indirect_dma source(%dma_start3A_6 : memref<1000000x32xf32, #tpu.memory_space<hbm>>) target(%arg6 : memref<1600x32xf32, #tpu.memory_space<vmem>>) offsets(%arg5 : memref<1600xi32, #tpu.memory_space<vmem>>) semaphore(%arg7 : memref<!tpu.dma_semaphore, #tpu.memory_space<semaphore_mem>>)
    %dma_wait3A = arith.constant 0 : i32
    %dma_wait3A_7 = arith.constant 0 : i32
    %dma_wait3A_8 = tpu.memref_slice %arg2[%dma_wait3A, %dma_wait3A_7] : memref<1000000x32xf32, #tpu.memory_space<hbm>> -> memref<1000000x32xf32, #tpu.memory_space<hbm>>
    tpu.wait_indirect_dma semaphore(%arg7 : memref<!tpu.dma_semaphore, #tpu.memory_space<semaphore_mem>>) src(%dma_wait3A_8 : memref<1000000x32xf32, #tpu.memory_space<hbm>>) dst(%arg6 : memref<1600x32xf32, #tpu.memory_space<vmem>>)
    "tpu.region"() ({
      %run_scoped3A = tpu.sem_alloc : memref<!tpu.dma_semaphore, #tpu.memory_space<semaphore_mem>>
      %dma_start3A_33 = arith.constant 0 : i32
      %dma_start3A_34 = tpu.memref_slice %arg4[%add3A_4, %dma_start3A_33] : memref<204800x32xf32, #tpu.memory_space<hbm>> -> memref<1600x32xf32, #tpu.memory_space<hbm>>
      %dma_start3A_35 = arith.constant 0 : i32
      %dma_start3A_36 = tpu.memref_slice %arg4[%add3A_4, %dma_start3A_35] : memref<204800x32xf32, #tpu.memory_space<hbm>> -> memref<1600x32xf32, #tpu.memory_space<hbm>>
      tpu.enqueue_dma source(%arg6 : memref<1600x32xf32, #tpu.memory_space<vmem>>) target(%dma_start3A_36 : memref<1600x32xf32, #tpu.memory_space<hbm>>) target_semaphore(%run_scoped3A : memref<!tpu.dma_semaphore, #tpu.memory_space<semaphore_mem>>)
      %dma_wait3A_37 = arith.constant 0 : i32
      %dma_wait3A_38 = tpu.memref_slice %arg4[%add3A_4, %dma_wait3A_37] : memref<204800x32xf32, #tpu.memory_space<hbm>> -> memref<1600x32xf32, #tpu.memory_space<hbm>>
      %dma_wait3A_39 = arith.constant 0 : i32
      %dma_wait3A_40 = tpu.memref_slice %arg4[%add3A_4, %dma_wait3A_39] : memref<204800x32xf32, #tpu.memory_space<hbm>> -> memref<1600x32xf32, #tpu.memory_space<hbm>>
      tpu.wait_dma2 semaphore(%run_scoped3A : memref<!tpu.dma_semaphore, #tpu.memory_space<semaphore_mem>>) src(%arg6 : memref<1600x32xf32, #tpu.memory_space<vmem>>) dst(%dma_wait3A_40 : memref<1600x32xf32, #tpu.memory_space<hbm>>)
      tpu.yield
    }) : () -> ()
    %add3A_9 = arith.constant 1600 : i32
    %add3A_10 = arith.addi %mul3A_2, %add3A_9 : i32
    "tpu.region"() ({
      %run_scoped3A = tpu.sem_alloc : memref<!tpu.dma_semaphore, #tpu.memory_space<semaphore_mem>>
      %dma_start3A_33 = tpu.memref_slice %arg3[%add3A_10] : memref<204800xi32, #tpu.memory_space<hbm>> -> memref<1600xi32, #tpu.memory_space<hbm>>
      %dma_start3A_34 = tpu.memref_slice %arg3[%add3A_10] : memref<204800xi32, #tpu.memory_space<hbm>> -> memref<1600xi32, #tpu.memory_space<hbm>>
      tpu.enqueue_dma source(%dma_start3A_34 : memref<1600xi32, #tpu.memory_space<hbm>>) target(%arg5 : memref<1600xi32, #tpu.memory_space<vmem>>) target_semaphore(%run_scoped3A : memref<!tpu.dma_semaphore, #tpu.memory_space<semaphore_mem>>)
      %dma_wait3A_35 = tpu.memref_slice %arg3[%add3A_10] : memref<204800xi32, #tpu.memory_space<hbm>> -> memref<1600xi32, #tpu.memory_space<hbm>>
      %dma_wait3A_36 = tpu.memref_slice %arg3[%add3A_10] : memref<204800xi32, #tpu.memory_space<hbm>> -> memref<1600xi32, #tpu.memory_space<hbm>>
      tpu.wait_dma2 semaphore(%run_scoped3A : memref<!tpu.dma_semaphore, #tpu.memory_space<semaphore_mem>>) src(%dma_wait3A_36 : memref<1600xi32, #tpu.memory_space<hbm>>) dst(%arg5 : memref<1600xi32, #tpu.memory_space<vmem>>)
      tpu.yield
    }) : () -> ()
    %dma_start3A_11 = arith.constant 0 : i32
    %dma_start3A_12 = arith.constant 0 : i32
    %dma_start3A_13 = tpu.memref_slice %arg2[%dma_start3A_11, %dma_start3A_12] : memref<1000000x32xf32, #tpu.memory_space<hbm>> -> memref<1000000x32xf32, #tpu.memory_space<hbm>>
    tpu.enqueue_indirect_dma source(%dma_start3A_13 : memref<1000000x32xf32, #tpu.memory_space<hbm>>) target(%arg6 : memref<1600x32xf32, #tpu.memory_space<vmem>>) offsets(%arg5 : memref<1600xi32, #tpu.memory_space<vmem>>) semaphore(%arg7 : memref<!tpu.dma_semaphore, #tpu.memory_space<semaphore_mem>>)
    %dma_wait3A_14 = arith.constant 0 : i32
    %dma_wait3A_15 = arith.constant 0 : i32
    %dma_wait3A_16 = tpu.memref_slice %arg2[%dma_wait3A_14, %dma_wait3A_15] : memref<1000000x32xf32, #tpu.memory_space<hbm>> -> memref<1000000x32xf32, #tpu.memory_space<hbm>>
    tpu.wait_indirect_dma semaphore(%arg7 : memref<!tpu.dma_semaphore, #tpu.memory_space<semaphore_mem>>) src(%dma_wait3A_16 : memref<1000000x32xf32, #tpu.memory_space<hbm>>) dst(%arg6 : memref<1600x32xf32, #tpu.memory_space<vmem>>)
    "tpu.region"() ({
      %run_scoped3A = tpu.sem_alloc : memref<!tpu.dma_semaphore, #tpu.memory_space<semaphore_mem>>
      %dma_start3A_33 = arith.constant 0 : i32
      %dma_start3A_34 = tpu.memref_slice %arg4[%add3A_10, %dma_start3A_33] : memref<204800x32xf32, #tpu.memory_space<hbm>> -> memref<1600x32xf32, #tpu.memory_space<hbm>>
      %dma_start3A_35 = arith.constant 0 : i32
      %dma_start3A_36 = tpu.memref_slice %arg4[%add3A_10, %dma_start3A_35] : memref<204800x32xf32, #tpu.memory_space<hbm>> -> memref<1600x32xf32, #tpu.memory_space<hbm>>
      tpu.enqueue_dma source(%arg6 : memref<1600x32xf32, #tpu.memory_space<vmem>>) target(%dma_start3A_36 : memref<1600x32xf32, #tpu.memory_space<hbm>>) target_semaphore(%run_scoped3A : memref<!tpu.dma_semaphore, #tpu.memory_space<semaphore_mem>>)
      %dma_wait3A_37 = arith.constant 0 : i32
      %dma_wait3A_38 = tpu.memref_slice %arg4[%add3A_10, %dma_wait3A_37] : memref<204800x32xf32, #tpu.memory_space<hbm>> -> memref<1600x32xf32, #tpu.memory_space<hbm>>
      %dma_wait3A_39 = arith.constant 0 : i32
      %dma_wait3A_40 = tpu.memref_slice %arg4[%add3A_10, %dma_wait3A_39] : memref<204800x32xf32, #tpu.memory_space<hbm>> -> memref<1600x32xf32, #tpu.memory_space<hbm>>
      tpu.wait_dma2 semaphore(%run_scoped3A : memref<!tpu.dma_semaphore, #tpu.memory_space<semaphore_mem>>) src(%arg6 : memref<1600x32xf32, #tpu.memory_space<vmem>>) dst(%dma_wait3A_40 : memref<1600x32xf32, #tpu.memory_space<hbm>>)
      tpu.yield
    }) : () -> ()
    %add3A_17 = arith.constant 3200 : i32
    %add3A_18 = arith.addi %mul3A_2, %add3A_17 : i32
    "tpu.region"() ({
      %run_scoped3A = tpu.sem_alloc : memref<!tpu.dma_semaphore, #tpu.memory_space<semaphore_mem>>
      %dma_start3A_33 = tpu.memref_slice %arg3[%add3A_18] : memref<204800xi32, #tpu.memory_space<hbm>> -> memref<1600xi32, #tpu.memory_space<hbm>>
      %dma_start3A_34 = tpu.memref_slice %arg3[%add3A_18] : memref<204800xi32, #tpu.memory_space<hbm>> -> memref<1600xi32, #tpu.memory_space<hbm>>
      tpu.enqueue_dma source(%dma_start3A_34 : memref<1600xi32, #tpu.memory_space<hbm>>) target(%arg5 : memref<1600xi32, #tpu.memory_space<vmem>>) target_semaphore(%run_scoped3A : memref<!tpu.dma_semaphore, #tpu.memory_space<semaphore_mem>>)
      %dma_wait3A_35 = tpu.memref_slice %arg3[%add3A_18] : memref<204800xi32, #tpu.memory_space<hbm>> -> memref<1600xi32, #tpu.memory_space<hbm>>
      %dma_wait3A_36 = tpu.memref_slice %arg3[%add3A_18] : memref<204800xi32, #tpu.memory_space<hbm>> -> memref<1600xi32, #tpu.memory_space<hbm>>
      tpu.wait_dma2 semaphore(%run_scoped3A : memref<!tpu.dma_semaphore, #tpu.memory_space<semaphore_mem>>) src(%dma_wait3A_36 : memref<1600xi32, #tpu.memory_space<hbm>>) dst(%arg5 : memref<1600xi32, #tpu.memory_space<vmem>>)
      tpu.yield
    }) : () -> ()
    %dma_start3A_19 = arith.constant 0 : i32
    %dma_start3A_20 = arith.constant 0 : i32
    %dma_start3A_21 = tpu.memref_slice %arg2[%dma_start3A_19, %dma_start3A_20] : memref<1000000x32xf32, #tpu.memory_space<hbm>> -> memref<1000000x32xf32, #tpu.memory_space<hbm>>
    tpu.enqueue_indirect_dma source(%dma_start3A_21 : memref<1000000x32xf32, #tpu.memory_space<hbm>>) target(%arg6 : memref<1600x32xf32, #tpu.memory_space<vmem>>) offsets(%arg5 : memref<1600xi32, #tpu.memory_space<vmem>>) semaphore(%arg7 : memref<!tpu.dma_semaphore, #tpu.memory_space<semaphore_mem>>)
    %dma_wait3A_22 = arith.constant 0 : i32
    %dma_wait3A_23 = arith.constant 0 : i32
    %dma_wait3A_24 = tpu.memref_slice %arg2[%dma_wait3A_22, %dma_wait3A_23] : memref<1000000x32xf32, #tpu.memory_space<hbm>> -> memref<1000000x32xf32, #tpu.memory_space<hbm>>
    tpu.wait_indirect_dma semaphore(%arg7 : memref<!tpu.dma_semaphore, #tpu.memory_space<semaphore_mem>>) src(%dma_wait3A_24 : memref<1000000x32xf32, #tpu.memory_space<hbm>>) dst(%arg6 : memref<1600x32xf32, #tpu.memory_space<vmem>>)
    "tpu.region"() ({
      %run_scoped3A = tpu.sem_alloc : memref<!tpu.dma_semaphore, #tpu.memory_space<semaphore_mem>>
      %dma_start3A_33 = arith.constant 0 : i32
      %dma_start3A_34 = tpu.memref_slice %arg4[%add3A_18, %dma_start3A_33] : memref<204800x32xf32, #tpu.memory_space<hbm>> -> memref<1600x32xf32, #tpu.memory_space<hbm>>
      %dma_start3A_35 = arith.constant 0 : i32
      %dma_start3A_36 = tpu.memref_slice %arg4[%add3A_18, %dma_start3A_35] : memref<204800x32xf32, #tpu.memory_space<hbm>> -> memref<1600x32xf32, #tpu.memory_space<hbm>>
      tpu.enqueue_dma source(%arg6 : memref<1600x32xf32, #tpu.memory_space<vmem>>) target(%dma_start3A_36 : memref<1600x32xf32, #tpu.memory_space<hbm>>) target_semaphore(%run_scoped3A : memref<!tpu.dma_semaphore, #tpu.memory_space<semaphore_mem>>)
      %dma_wait3A_37 = arith.constant 0 : i32
      %dma_wait3A_38 = tpu.memref_slice %arg4[%add3A_18, %dma_wait3A_37] : memref<204800x32xf32, #tpu.memory_space<hbm>> -> memref<1600x32xf32, #tpu.memory_space<hbm>>
      %dma_wait3A_39 = arith.constant 0 : i32
      %dma_wait3A_40 = tpu.memref_slice %arg4[%add3A_18, %dma_wait3A_39] : memref<204800x32xf32, #tpu.memory_space<hbm>> -> memref<1600x32xf32, #tpu.memory_space<hbm>>
      tpu.wait_dma2 semaphore(%run_scoped3A : memref<!tpu.dma_semaphore, #tpu.memory_space<semaphore_mem>>) src(%arg6 : memref<1600x32xf32, #tpu.memory_space<vmem>>) dst(%dma_wait3A_40 : memref<1600x32xf32, #tpu.memory_space<hbm>>)
      tpu.yield
    }) : () -> ()
    %add3A_25 = arith.constant 4800 : i32
    %add3A_26 = arith.addi %mul3A_2, %add3A_25 : i32
    "tpu.region"() ({
      %run_scoped3A = tpu.sem_alloc : memref<!tpu.dma_semaphore, #tpu.memory_space<semaphore_mem>>
      %dma_start3A_33 = tpu.memref_slice %arg3[%add3A_26] : memref<204800xi32, #tpu.memory_space<hbm>> -> memref<1600xi32, #tpu.memory_space<hbm>>
      %dma_start3A_34 = tpu.memref_slice %arg3[%add3A_26] : memref<204800xi32, #tpu.memory_space<hbm>> -> memref<1600xi32, #tpu.memory_space<hbm>>
      tpu.enqueue_dma source(%dma_start3A_34 : memref<1600xi32, #tpu.memory_space<hbm>>) target(%arg5 : memref<1600xi32, #tpu.memory_space<vmem>>) target_semaphore(%run_scoped3A : memref<!tpu.dma_semaphore, #tpu.memory_space<semaphore_mem>>)
      %dma_wait3A_35 = tpu.memref_slice %arg3[%add3A_26] : memref<204800xi32, #tpu.memory_space<hbm>> -> memref<1600xi32, #tpu.memory_space<hbm>>
      %dma_wait3A_36 = tpu.memref_slice %arg3[%add3A_26] : memref<204800xi32, #tpu.memory_space<hbm>> -> memref<1600xi32, #tpu.memory_space<hbm>>
      tpu.wait_dma2 semaphore(%run_scoped3A : memref<!tpu.dma_semaphore, #tpu.memory_space<semaphore_mem>>) src(%dma_wait3A_36 : memref<1600xi32, #tpu.memory_space<hbm>>) dst(%arg5 : memref<1600xi32, #tpu.memory_space<vmem>>)
      tpu.yield
    }) : () -> ()
    %dma_start3A_27 = arith.constant 0 : i32
    %dma_start3A_28 = arith.constant 0 : i32
    %dma_start3A_29 = tpu.memref_slice %arg2[%dma_start3A_27, %dma_start3A_28] : memref<1000000x32xf32, #tpu.memory_space<hbm>> -> memref<1000000x32xf32, #tpu.memory_space<hbm>>
    tpu.enqueue_indirect_dma source(%dma_start3A_29 : memref<1000000x32xf32, #tpu.memory_space<hbm>>) target(%arg6 : memref<1600x32xf32, #tpu.memory_space<vmem>>) offsets(%arg5 : memref<1600xi32, #tpu.memory_space<vmem>>) semaphore(%arg7 : memref<!tpu.dma_semaphore, #tpu.memory_space<semaphore_mem>>)
    %dma_wait3A_30 = arith.constant 0 : i32
    %dma_wait3A_31 = arith.constant 0 : i32
    %dma_wait3A_32 = tpu.memref_slice %arg2[%dma_wait3A_30, %dma_wait3A_31] : memref<1000000x32xf32, #tpu.memory_space<hbm>> -> memref<1000000x32xf32, #tpu.memory_space<hbm>>
    tpu.wait_indirect_dma semaphore(%arg7 : memref<!tpu.dma_semaphore, #tpu.memory_space<semaphore_mem>>) src(%dma_wait3A_32 : memref<1000000x32xf32, #tpu.memory_space<hbm>>) dst(%arg6 : memref<1600x32xf32, #tpu.memory_space<vmem>>)
    "tpu.region"() ({
      %run_scoped3A = tpu.sem_alloc : memref<!tpu.dma_semaphore, #tpu.memory_space<semaphore_mem>>
      %dma_start3A_33 = arith.constant 0 : i32
      %dma_start3A_34 = tpu.memref_slice %arg4[%add3A_26, %dma_start3A_33] : memref<204800x32xf32, #tpu.memory_space<hbm>> -> memref<1600x32xf32, #tpu.memory_space<hbm>>
      %dma_start3A_35 = arith.constant 0 : i32
      %dma_start3A_36 = tpu.memref_slice %arg4[%add3A_26, %dma_start3A_35] : memref<204800x32xf32, #tpu.memory_space<hbm>> -> memref<1600x32xf32, #tpu.memory_space<hbm>>
      tpu.enqueue_dma source(%arg6 : memref<1600x32xf32, #tpu.memory_space<vmem>>) target(%dma_start3A_36 : memref<1600x32xf32, #tpu.memory_space<hbm>>) target_semaphore(%run_scoped3A : memref<!tpu.dma_semaphore, #tpu.memory_space<semaphore_mem>>)
      %dma_wait3A_37 = arith.constant 0 : i32
      %dma_wait3A_38 = tpu.memref_slice %arg4[%add3A_26, %dma_wait3A_37] : memref<204800x32xf32, #tpu.memory_space<hbm>> -> memref<1600x32xf32, #tpu.memory_space<hbm>>
      %dma_wait3A_39 = arith.constant 0 : i32
      %dma_wait3A_40 = tpu.memref_slice %arg4[%add3A_26, %dma_wait3A_39] : memref<204800x32xf32, #tpu.memory_space<hbm>> -> memref<1600x32xf32, #tpu.memory_space<hbm>>
      tpu.wait_dma2 semaphore(%run_scoped3A : memref<!tpu.dma_semaphore, #tpu.memory_space<semaphore_mem>>) src(%arg6 : memref<1600x32xf32, #tpu.memory_space<vmem>>) dst(%dma_wait3A_40 : memref<1600x32xf32, #tpu.memory_space<hbm>>)
      tpu.yield
    }) : () -> ()
    return
  }
}

module attributes {stable_mosaic.version = 14 : i64} {
  func.func @body(%arg0: i32, %arg1: memref<1024x128xf32, #tpu.memory_space<vmem>>, %arg2: memref<32x128xf32, #tpu.memory_space<vmem>>, %arg3: memref<1x4096x128xf32, #tpu.memory_space<vmem>>) attributes {dimension_semantics = [#tpu.dimension_semantics<arbitrary>], iteration_bounds = array<i64: 50>, scalar_prefetch = 0 : i64, scratch_operands = 0 : i64, tpu.core_type = #tpu.core_type<tc>, window_params = [{transform_indices = @transform_0, window_bounds = array<i64: 1024, 128>}, {pipeline_mode = #tpu.pipeline_mode<synchronous>, transform_indices = @transform_1, window_bounds = array<i64: 32, 128>}, {transform_indices = @transform_2, window_bounds = array<i64: 1, 4096, 128>}]} {
    %get3A = arith.constant 0 : index
    %get3A_0 = arith.constant 0 : index
    %get3A_1 = vector.load %arg1[%get3A, %get3A_0] : memref<1024x128xf32, #tpu.memory_space<vmem>>, vector<1024x32xf32>
    %get3A_2 = arith.constant 0 : index
    %get3A_3 = arith.constant 0 : index
    %get3A_4 = vector.load %arg2[%get3A_2, %get3A_3] : memref<32x128xf32, #tpu.memory_space<vmem>>, vector<32x128xf32>
    %dot_general3A = arith.constant dense<0.000000e+00> : vector<1024x128xf32>
    %dot_general3A_5 = tpu.matmul %get3A_1, %get3A_4, %dot_general3A {dimension_numbers = #tpu.dot_dimension_numbers<[1], [0], [0], [1], [0, 0, 1, 1], [], []>, transpose_lhs_hint = false} : vector<1024x32xf32>, vector<32x128xf32>, vector<1024x128xf32> -> vector<1024x128xf32>
    %swap3A = arith.constant 0 : index
    %swap3A_6 = arith.constant 0 : index
    %swap3A_7 = arith.constant 0 : index
    %swap3A_8 = vector.load %arg3[%swap3A, %swap3A_6, %swap3A_7] : memref<1x4096x128xf32, #tpu.memory_space<vmem>>, vector<1x1024x128xf32>
    %swap3A_9 = vector.shape_cast %swap3A_8 : vector<1x1024x128xf32> to vector<1024x128xf32>
    %swap3A_10 = vector.shape_cast %dot_general3A_5 : vector<1024x128xf32> to vector<1x1024x128xf32>
    tpu.vector_store %arg3[%swap3A, %swap3A_6, %swap3A_7], %swap3A_10 {strides = array<i32>} : memref<1x4096x128xf32, #tpu.memory_space<vmem>>, vector<1x1024x128xf32>,
    %get3A_11 = arith.constant 0 : index
    %get3A_12 = arith.constant 32 : index
    %get3A_13 = vector.load %arg1[%get3A_11, %get3A_12] : memref<1024x128xf32, #tpu.memory_space<vmem>>, vector<1024x32xf32>
    %get3A_14 = arith.constant 0 : index
    %get3A_15 = arith.constant 0 : index
    %get3A_16 = vector.load %arg2[%get3A_14, %get3A_15] : memref<32x128xf32, #tpu.memory_space<vmem>>, vector<32x128xf32>
    %dot_general3A_17 = arith.constant dense<0.000000e+00> : vector<1024x128xf32>
    %dot_general3A_18 = tpu.matmul %get3A_13, %get3A_16, %dot_general3A_17 {dimension_numbers = #tpu.dot_dimension_numbers<[1], [0], [0], [1], [0, 0, 1, 1], [], []>, transpose_lhs_hint = false} : vector<1024x32xf32>, vector<32x128xf32>, vector<1024x128xf32> -> vector<1024x128xf32>
    %swap3A_19 = arith.constant 0 : index
    %swap3A_20 = arith.constant 1024 : index
    %swap3A_21 = arith.constant 0 : index
    %swap3A_22 = vector.load %arg3[%swap3A_19, %swap3A_20, %swap3A_21] : memref<1x4096x128xf32, #tpu.memory_space<vmem>>, vector<1x1024x128xf32>
    %swap3A_23 = vector.shape_cast %swap3A_22 : vector<1x1024x128xf32> to vector<1024x128xf32>
    %swap3A_24 = vector.shape_cast %dot_general3A_18 : vector<1024x128xf32> to vector<1x1024x128xf32>
    tpu.vector_store %arg3[%swap3A_19, %swap3A_20, %swap3A_21], %swap3A_24 {strides = array<i32>} : memref<1x4096x128xf32, #tpu.memory_space<vmem>>, vector<1x1024x128xf32>,
    %get3A_25 = arith.constant 0 : index
    %get3A_26 = arith.constant 64 : index
    %get3A_27 = vector.load %arg1[%get3A_25, %get3A_26] : memref<1024x128xf32, #tpu.memory_space<vmem>>, vector<1024x32xf32>
    %get3A_28 = arith.constant 0 : index
    %get3A_29 = arith.constant 0 : index
    %get3A_30 = vector.load %arg2[%get3A_28, %get3A_29] : memref<32x128xf32, #tpu.memory_space<vmem>>, vector<32x128xf32>
    %dot_general3A_31 = arith.constant dense<0.000000e+00> : vector<1024x128xf32>
    %dot_general3A_32 = tpu.matmul %get3A_27, %get3A_30, %dot_general3A_31 {dimension_numbers = #tpu.dot_dimension_numbers<[1], [0], [0], [1], [0, 0, 1, 1], [], []>, transpose_lhs_hint = false} : vector<1024x32xf32>, vector<32x128xf32>, vector<1024x128xf32> -> vector<1024x128xf32>
    %swap3A_33 = arith.constant 0 : index
    %swap3A_34 = arith.constant 2048 : index
    %swap3A_35 = arith.constant 0 : index
    %swap3A_36 = vector.load %arg3[%swap3A_33, %swap3A_34, %swap3A_35] : memref<1x4096x128xf32, #tpu.memory_space<vmem>>, vector<1x1024x128xf32>
    %swap3A_37 = vector.shape_cast %swap3A_36 : vector<1x1024x128xf32> to vector<1024x128xf32>
    %swap3A_38 = vector.shape_cast %dot_general3A_32 : vector<1024x128xf32> to vector<1x1024x128xf32>
    tpu.vector_store %arg3[%swap3A_33, %swap3A_34, %swap3A_35], %swap3A_38 {strides = array<i32>} : memref<1x4096x128xf32, #tpu.memory_space<vmem>>, vector<1x1024x128xf32>,
    %get3A_39 = arith.constant 0 : index
    %get3A_40 = arith.constant 96 : index
    %get3A_41 = vector.load %arg1[%get3A_39, %get3A_40] : memref<1024x128xf32, #tpu.memory_space<vmem>>, vector<1024x32xf32>
    %get3A_42 = arith.constant 0 : index
    %get3A_43 = arith.constant 0 : index
    %get3A_44 = vector.load %arg2[%get3A_42, %get3A_43] : memref<32x128xf32, #tpu.memory_space<vmem>>, vector<32x128xf32>
    %dot_general3A_45 = arith.constant dense<0.000000e+00> : vector<1024x128xf32>
    %dot_general3A_46 = tpu.matmul %get3A_41, %get3A_44, %dot_general3A_45 {dimension_numbers = #tpu.dot_dimension_numbers<[1], [0], [0], [1], [0, 0, 1, 1], [], []>, transpose_lhs_hint = false} : vector<1024x32xf32>, vector<32x128xf32>, vector<1024x128xf32> -> vector<1024x128xf32>
    %swap3A_47 = arith.constant 0 : index
    %swap3A_48 = arith.constant 3072 : index
    %swap3A_49 = arith.constant 0 : index
    %swap3A_50 = vector.load %arg3[%swap3A_47, %swap3A_48, %swap3A_49] : memref<1x4096x128xf32, #tpu.memory_space<vmem>>, vector<1x1024x128xf32>
    %swap3A_51 = vector.shape_cast %swap3A_50 : vector<1x1024x128xf32> to vector<1024x128xf32>
    %swap3A_52 = vector.shape_cast %dot_general3A_46 : vector<1024x128xf32> to vector<1x1024x128xf32>
    tpu.vector_store %arg3[%swap3A_47, %swap3A_48, %swap3A_49], %swap3A_52 {strides = array<i32>} : memref<1x4096x128xf32, #tpu.memory_space<vmem>>, vector<1x1024x128xf32>,
    return
  }
  func.func @transform_0(%arg0: i32) -> (i32, i32) {
    %c0_i32 = arith.constant 0 : i32
    %c0_i32_0 = arith.constant 0 : i32
    return %arg0, %c0_i32 : i32, i32
  }
  func.func @transform_1(%arg0: i32) -> (i32, i32) {
    %c0_i32 = arith.constant 0 : i32
    %c0_i32_0 = arith.constant 0 : i32
    %c0_i32_1 = arith.constant 0 : i32
    return %c0_i32, %c0_i32_0 : i32, i32
  }
  func.func @transform_2(%arg0: i32) -> (i32, i32, i32) {
    %c0_i32 = arith.constant 0 : i32
    %c0_i32_0 = arith.constant 0 : i32
    %c0_i32_1 = arith.constant 0 : i32
    return %arg0, %c0_i32, %c0_i32_0 : i32, i32, i32
  }
}

</mosaic_0001>

<sc_bundles>
// kernel: kernel.5.cloned.1.call-start
scs
__scs_entry_jumppad:
0x0: {  	(pc) =	sbr.rel $0x88, $3  }
0x1: {  	(tag) =	ssettag $0x0;
	lr =	simm.s32 $0x1  }
0x2: {  	[smem:$0x3F9E] =	sst lr;
	_ =	strace $0xD0000000  }
0x3: {  	_ = 	snop  }
0x4: {  	_ = 	snop  }
0x5: {  	_ = 	snop  }
0x6: {  	_ = 	snop  }
0x7: {  	_ = 	snop  }
__scs_overlays_trampoline_lowered:
0x8: {  	[smem:$0x3FAD] =	sst s0  }
0x9: {  	[smem:$0x3FAE] =	sst s1  }
0xa: {  	[smem:$0x3FAF] =	sst s2  }
0xb: {  	[smem:$0x3FB0] =	sst s3  }
0xc: {  	[smem:$0x3FB1] =	sst s4  }
0xd: {  	[smem:$0x3FB2] =	sst s5  }
0xe: {  	[smem:$0x3FB3] =	sst s6  }
0xf: {  	[smem:$0x3FB4] =	sst s7  }
0x10: {  	[smem:$0x3FB5] =	sst s8  }
0x11: {  	[smem:$0x3FB6] =	sst s9;
	s0 =	simm.s32 @!p0 $0x0  }
0x12: {  	s1 =	sld [smem:$0x3F9C];
	s0 =	simm.s32 @p0 $0x1  }
0x13: {  	[smem:$0x3FB7] =	sst s0;
	s0 =	simm.s32 @!p1 $0x0  }
0x14: {  	s2 =	sld [smem:$0x3F9B];
	s0 =	simm.s32 @p1 $0x1  }
0x15: {  	[smem:$0x3FB8] =	sst s0;
	s0 =	simm.s32 @!p2 $0x0  }
0x16: {  	s3 =	sld [smem:$0x3FDB];
	s0 =	simm.s32 @p2 $0x1  }
0x17: {  	s4 =	simm.s32 $0x1BF5;
	[smem:$0x3FBA] =	sst s0  }
0x18: {  	s0 =	sld [smem:$0x3F9D];
	_ =	swait.ge [sflag:s4], $0x0  }
0x19: {  	s7 =	sld [smem:$0x3F9E]  }
0x1a: {  	s8 =	sadd.s32 $0xFFFFE003, lr  }
0x1b: {  	s9 =	sadd.s32 $0xFFFFFEF7, lr;
	s5 =	simm.s32 $0xFFFFFFFF;
	p2 =	slt.u32 s8, $0xFFFFF086  }
0x1c: {  	p1 =	slt.u32 s9, $0xF7A;
	s5 =	simm.s32 @!p2 $0x0  }
0x1d: {  	s5 =	simm.s32 @p1 $0x1;
	p0 =	seq.s32 s7, s2  }
0x1e: {  	s7 =	smul.u32 @!p0 $0xF7A, s2;
	p2 =	seq.s32 @!p0 s5, $0x0  }
0x1f: {  	s9 =	smul.u32 $0xF7A, s1;
	s8 =	simm.s32 @!p0 $0x1BF5;
	p2 =	por !p2, p0  }
0x20: {  	[sflag:s8] =	ssyncset.s32 @!p0 $0xFFFFF086;
	s6 =	sadd.s32 @!p0 s3, s7;
	s7 =	simm.s32 @!p0 $0x108  }
0x21: {  	s3 =	sadd.s32 s3, s9;
	s6 =	sadd.s32 @!p0 $0x88, s6;
	s7 =	simm.s32 @p2 $0x1082  }
0x22: {  	[simem:s7], [sflag:s8] =	dma.local @!p0 [hbm:s6], $0xF7A  }
0x23: {  	s9 =	sor.u32 $0xD0000000, s2;
	s6 =	simm.s32 $0x108;
	_ =	swait.ge @!p0 [sflag:s8], $0x0  }
0x24: {  	s3 =	sadd.s32 $0x88, s3;
	s6 =	simm.s32 @!p1 $0x1082;
	[sflag:s4] =	ssyncset.s32 $0xFFFFF086  }
0x25: {  	[simem:s6], [sflag:s4] =	dma.local [hbm:s3], $0xF7A  }
0x26: {  	[smem:$0x3F9E] =	sst s1;
	(tag) =	ssettag s2;
	_ =	strace s9  }
0x27: {  	s1 =	sld [smem:$0x3FAE]  }
0x28: {  	s2 =	sld [smem:$0x3FAF]  }
0x29: {  	s4 =	sld [smem:$0x3FB1]  }
0x2a: {  	p0 =	seq.s32 s5, $0x0;
	s5 =	sld [smem:$0x3FB2]  }
0x2b: {  	s6 =	sld [smem:$0x3FB3]  }
0x2c: {  	s7 =	sld [smem:$0x3FB4]  }
0x2d: {  	s3 =	simm.s32 $0x108;
	s8 =	sld [smem:$0x3FB5]  }
0x2e: {  	s3 =	simm.s32 @!p0 $0x1082;
	s9 =	sld [smem:$0x3FB6]  }
0x2f: {  	lr =	sadd.s32 s0, s3;
	s0 =	sld [smem:$0x3FAD]  }
0x30: {  	s3 =	sld [smem:$0x3FB0]  }
0x31: {  	[smem:$0x3FB9] =	sst s10  }
0x32: {  	s10 =	sld [smem:$0x3FB7];
	_ =	sdelay $0x3  }
0x33: {  	p0 =	seq.s32 s10, $0x1;
	s10 =	sld [smem:$0x3FB9];
	_ =	sdelay $0x3  }
0x34: {  	[smem:$0x3FB9] =	sst s10  }
0x35: {  	s10 =	sld [smem:$0x3FB8];
	_ =	sdelay $0x3  }
0x36: {  	p1 =	seq.s32 s10, $0x1;
	s10 =	sld [smem:$0x3FB9];
	_ =	sdelay $0x3  }
0x37: {  	[smem:$0x3FB9] =	sst s10  }
0x38: {  	s10 =	sld [smem:$0x3FBA]  }
0x39: {  	_ = 	snop;
	(pc) =	sbr.ind lr, $3  }
0x3a: {  	_ = 	snop  }
0x3b: {  	_ = 	snop  }
0x3c: {  	p2 =	seq.s32 s10, $0x1;
	s10 =	sld [smem:$0x3FB9]  }
0x3d: {  	_ =	shalt  }
0x3e: {  	_ =	shalt  }
0x3f: {  	_ =	shalt  }
0x40: {  	_ =	shalt  }
0x41: {  	_ =	shalt  }
0x42: {  	_ =	shalt  }
0x43: {  	_ =	shalt  }
0x44: {  	_ =	shalt  }
0x45: {  	_ =	shalt  }
0x46: {  	_ =	shalt  }
0x47: {  	_ =	shalt  }
0x48: {  	_ =	shalt  }
0x49: {  	_ =	shalt  }
0x4a: {  	_ =	shalt  }
0x4b: {  	_ =	shalt  }
0x4c: {  	_ =	shalt  }
0x4d: {  	_ =	shalt  }
0x4e: {  	_ =	shalt  }
0x4f: {  	_ =	shalt  }
0x50: {  	_ =	shalt  }
0x51: {  	_ =	shalt  }
0x52: {  	_ =	shalt  }
0x53: {  	_ =	shalt  }
0x54: {  	_ =	shalt  }
0x55: {  	_ =	shalt  }
0x56: {  	_ =	shalt  }
0x57: {  	_ =	shalt  }
0x58: {  	_ =	shalt  }
0x59: {  	_ =	shalt  }
0x5a: {  	_ =	shalt  }
0x5b: {  	_ =	shalt  }
0x5c: {  	_ =	shalt  }
0x5d: {  	_ =	shalt  }
0x5e: {  	_ =	shalt  }
0x5f: {  	_ =	shalt  }
0x60: {  	_ =	shalt  }
0x61: {  	_ =	shalt  }
0x62: {  	_ =	shalt  }
0x63: {  	_ =	shalt  }
0x64: {  	_ =	shalt  }
0x65: {  	_ =	shalt  }
0x66: {  	_ =	shalt  }
0x67: {  	_ =	shalt  }
0x68: {  	_ =	shalt  }
0x69: {  	_ =	shalt  }
0x6a: {  	_ =	shalt  }
0x6b: {  	_ =	shalt  }
0x6c: {  	_ =	shalt  }
0x6d: {  	_ =	shalt  }
0x6e: {  	_ =	shalt  }
0x6f: {  	_ =	shalt  }
0x70: {  	_ =	shalt  }
0x71: {  	_ =	shalt  }
0x72: {  	_ =	shalt  }
0x73: {  	_ =	shalt  }
0x74: {  	_ =	shalt  }
0x75: {  	_ =	shalt  }
0x76: {  	_ =	shalt  }
0x77: {  	_ =	shalt  }
0x78: {  	_ =	shalt  }
0x79: {  	_ =	shalt  }
0x7a: {  	_ =	shalt  }
0x7b: {  	_ =	shalt  }
0x7c: {  	_ =	shalt  }
0x7d: {  	_ =	shalt  }
0x7e: {  	_ =	shalt  }
0x7f: {  	_ =	shalt  }
0x80: {  	_ =	shalt  }
0x81: {  	_ =	shalt  }
0x82: {  	_ =	shalt  }
0x83: {  	_ =	shalt  }
0x84: {  	_ =	shalt  }
0x85: {  	_ =	shalt  }
0x86: {  	_ =	shalt  }
0x87: {  	_ =	shalt  }
.Lfunc_end0:
.L_simem_size_0:
called_computation_lowered:
.L_overlay_start_0:
0x88: {  	s2 =	sld [smem:$0x3FD9]  }
0x89: {  	s3 =	sld [smem:$0x3FFE];
	_ =	sdelay $0x1  }
0x8a: {  	s1 =	srdreg.scid  }
0x8b: {  	s0 =	sand.u32 $0x1, s1  }
0x8c: {  	s17 =	sshll.u32 s0, $0xA;
	s2 =	sadd.s32 s3, s2  }
0x8d: {  	s2 =	sadd.s32 s2, s17  }
0x8e: {  	[smem:$0x3FC5] =	sst s2  }
0x8f: {  	_ = 	snop  }
0x90: {  	s2 =	sld [smem:$0x3FC8];
	(tm) =	ssettm $0x1  }
0x91: {  	s18 =	sld [smem:$0x3FFB];
	_ =	sdelay $0x3  }
0x92: {  	_ =	strace s18  }
0x93: {  	s3 =	sld [smem:$0x3FFC];
	_ =	sdelay $0x3  }
0x94: {  	_ =	strace s3  }
0x95: {  	s3 =	sld [smem:$0x3FFD];
	_ =	sdelay $0x3  }
0x96: {  	_ =	strace s3  }
0x97: {  	_ =	strace $0x8FFFFFFF  }
0x98: {  	s19 =	sld [smem:$0x3FDB];
	_ =	sdelay $0x1  }
0x99: {  	s4 =	simm.s32 $_scs_section_size  }
0x9a: {  	s5 =	simm.s32 $_size__tile_overlayer_lowered;
	s6 =	simm.s32 $_tile_overlayer_lowered  }
0x9b: {  	s22 =	simm.s32 $0x1BFF;
	s21 =	sshll.u32 s6, $0x1;
	s3 =	sadd.s32 s4, s19  }
0x9c: {  	s7 =	simm.s32 $0x0;
	s20 =	sshll.u32 s5, $0x1;
	s5 =	sadd.s32 s21, s3  }
0x9d: {  	[timem:s7], [sflag:s22] =	dma.local [hbm:s5], s20  }
0x9e: {  	_ =	swait.ge [sflag:s22], s20  }
0x9f: {  	s4 =	ssub.s32 $0x0, s20;
	[sflag:s22] =	ssyncset.done $0x0  }
0xa0: {  	[sflag:s22] =	ssyncadd.s32 s4;
	_ =	sdelay $0x1  }
0xa1: {  	s23 =	simm.s32 $0x1B8B  }
0xa2: {  	_ =	swait.ge [sflag:s23], $0x1  }
0xa3: {  	[sflag:s23] =	ssyncset.done $0x0  }
0xa4: {  	s25 =	simm.s32 $0x1B8E;
	s24 =	sld [smem:$0x3FFE];
	[sflag:s23] =	ssyncadd.s32 $0xFFFFFFFF  }
0xa5: {  	s26 =	simm.s32 $execute0_lowered;
	[smem:$0x3FD2] =	sst s25  }
0xa6: {  	s5 =	sshll.u32 s26, $0x1;
	_ =	strace $0x80000046;
	[dreg:$0x1] =	wrdreg $0xFFFFFFFF  }
0xa7: {  	s28 =	simm.s32 $_size_execute0_lowered;
	s3 =	sadd.s32 s3, s5;
	[dreg:$0x0] =	wrdreg $0x0  }
0xa8: {  	s5 =	sshll.u32 s28, $0x1;
	[dreg:$0x2] =	wrdreg s3  }
0xa9: {  	[dreg:$0x3] =	wrdreg s5  }
0xaa: {  	[dreg:$0x4] =	wrdreg $0xC0  }
0xab: {  	_ =	task [dreg:s7], $0x5FFFF  }
0xac: {  	[dreg:$0x1] =	wrdreg $0xFFFFFFFF  }
0xad: {  	[dreg:$0x0] =	wrdreg $0x60  }
0xae: {  	[dreg:$0x2] =	wrdreg s2  }
0xaf: {  	[dreg:$0x3] =	wrdreg s24  }
0xb0: {  	[dreg:$0x4] =	wrdreg $0x9  }
0xb1: {  	_ =	task.clear_ibuf [dreg:s7], $0x5FFFF;
	_ =	strace $0x90000046  }
0xb2: {  	s29 =	simm.s32 $0x9;
	_ =	strace $0x80000048  }
0xb3: {  	_ =	swait.ge [sflag:s29], $0x1  }
0xb4: {  	[sflag:s29] =	ssyncadd.s32 $0xFFFFFFFF  }
0xb5: {  	_ =	strace $0x90000048  }
0xb6: {  	_ =	sfence  }
0xb7: {  	s30 =	sld [smem:$0x0];
	_ =	sdelay $0x2  }
0xb8: {  	s31 =	sshll.u32 s1, $0xD;
	s1 =	sshrl.u32 s1, $0x2  }
0xb9: {  	s3 =	sand.u32 $0x4000, s31;
	s1 =	sadd.s32 s1, s30  }
0xba: {  	s0 =	sor.u32 s3, s0;
	s1 =	sshll.u32 s1, $0x11  }
0xbb: {  	s0 =	sor.u32 s1, s0  }
0xbc: {  	s0 =	sadd.s32 $0x8F2B, s0  }
0xbd: {  	[sflag:s0] =	ssyncadd.remote.s32 $0x1  }
0xbe: {  	_ =	sfence.sel $0xFFFF  }
0xbf: {  	[dreg:$0x0] =	wrdreg $0xFFFFFFFF;
	(pc) =	sbr.abs _section_cstart, $3  }
0xc0: {  	[dreg:$0x1] =	wrdreg $0xFFFFFFFF  }
0xc1: {  	_ =	task.clear_ibuf [dreg:s7], $0x2FFFF;
	_ =	strace $0x9FFFFFFF  }
0xc2: {  	(tm) =	ssettm $0x7FFFFFFF  }
0xc3: {  	_ =	shalt  }
tec
execute0_lowered:
.L_overlay_start_1:
0x0: {  	(tag) =	ssettag $0x1  }
0x1: {  	s0 =	rddreg [dreg:$0x0]  }
0x2: {  	s1 =	rddreg [dreg:$0x1]  }
0x3: {  	s2 =	srdreg.scid;
	s9 =	stileid.u32  }
0x4: {  	s13 =	simm.s32 $0x2;
	s14 =	simm.s32 $0x1000;
	s16 =	simm.s32 $0x4000  }
0x5: {  	s3 =	sand.u32 $0x1, s2;
	s4 =	sshll.u32 s9, $0x1;
	s2 =	simm.s32 $0x0  }
0x6: {  	p0 =	slt.u32 s9, $0x2;
	s30 =	sadd.s32 $0x3D1400, s1;
	s6 =	sor.u32 s3, s4  }
0x7: {  	s3 =	ssub.s32 $0x2, s3;
	[smem:$0x7FF] =	sst s2;
	s4 =	sshll.u32 s6, $0x9  }
0x8: {  	s5 =	sshrl.u32 s3, $0x1;
	_ =	strace $0x80000047;
	s29 =	sshll.u32 s6, $0x7  }
.Ltmp0:
0x9: {  	[dreg:$0x4] =	wrdreg s30;
	p1 =	sne.s32 s6, $0x4;
	(pc) =	sbr.rel .LBB2_1-.Ltmp0, $4  }
0xa: {  	v0 =	vlaneseq.u32;
	s7 =	sadd.s32 s4, s1;
	s8 =	ssub.s32 s3, s5;
	s3 =	simm.s32 $0xF5  }
0xb: {  	v0 =	vmul.u32 $0x80, v0;
	s4 =	sadd.s32 s0, s29;
	s0 =	sadd.s32 $0xF4200, s0;
	s1 =	simm.s32 $0x0  }
0xc: {  	s3 =	simm.s32 @!p0 $0xF4;
	[dreg:$0x3] =	wrdreg s0;
	s31 =	smax.u32 s8, $0x1  }
0xd: {  	v1 =	vor.u32 $0x800, v0;
	s5 =	sadd.s32 $0xC00, s7;
	p0 =	sgt.u32 s9, $0x1;
	[dreg:$0x5] =	wrdreg s31  }
.LBB2_15:
0xe: {  	s1 =	sadd.s32 $0x1, s1;
	s0 =	rddreg [dreg:$0x5]  }
0xf: {  	p2 =	sne.s32 s1, s0  }
.Ltmp1:
0x10: {  	_ = 	snop;
	(pc) =	sbr.rel @!p2 .LBB2_16-.Ltmp1, $1  }
0x11: {  	_ =	sdelay $0x3  }
.LBB2_1:
.Ltmp2:
0x12: {  	(pc) =	sbr.rel .LBB2_2-.Ltmp2, $4  }
0x13: {  	_ = 	snop  }
0x14: {  	[dreg:$0x6] =	wrdreg s1  }
0x15: {  	s0 =	simm.s32 $0x400;
	s31 =	simm.s32 $0x7A1400;
	s19 =	simm.s32 $0x0  }
0x16: {  	[tilespmem:s2], [sflag:$0x1] =	stream.strided.gather [hbm4b:s4+s0], $0x1000, s31, s0, $0x38;
	[tilespmem:$0x5000] =	vst v63  }
.LBB2_10:
0x17: {  	s19 =	sadd.s32 $0x1, s19  }
0x18: {  	p2 =	sne.s32 s19, $0x7B  }
.Ltmp3:
0x19: {  	_ = 	snop;
	(pc) =	sbr.rel @!p2 .LBB2_11-.Ltmp3, $1  }
0x1a: {  	_ =	sdelay $0x3  }
.LBB2_2:
0x1b: {  	s20 =	sshllo.u32 s19, $0x1  }
0x1c: {  	s21 =	sshll.u32 s19, $0x1;
	p2 =	sge.u32 s20, s3  }
0x1d: {  	p4 =	sge.u32 s21, s3;
	s0 =	sshll.u32 @!p2 s20, $0xC;
	s1 =	simm.s32 @!p2 $0x400  }
0x1e: {  	s6 =	simm.s32 @!p2 $0x7A1400;
	s7 =	simm.s32 @!p2 $0x1000;
	s0 =	sadd.s32 @!p2 s0, s4  }
0x1f: {  	[tilespmem:s7], [sflag:$0x2] =	stream.strided.gather @!p2 [hbm4b:s0+s1], $0x1000, s6, s1, $0x38;
	[tilespmem:$0x5000] =	vst v63  }
.Ltmp4:
0x20: {  	p3 =	seq.s32 s19, $0x0;
	(pc) =	sbr.rel @p4 .LBB2_6-.Ltmp4, $4  }
0x21: {  	s0 =	simm.s32 @!p3 $0x3  }
0x22: {  	_ =	swait.ge @!p3 [sflag:s0], $0x1000  }
0x23: {  	[sflag:s0] =	ssyncset.done @!p3 $0x0  }
0x24: {  	[sflag:s0] =	ssyncadd.s32 @!p3 $0xFFFFF000  }
0x25: {  	s0 =	simm.s32 $0x0;
	s11 =	simm.s32 $0x1  }
0x26: {  	s1 =	simm.s32 $0x2;
	s6 =	simm.s32 $0x3;
	s7 =	simm.s32 $0x4;
	v2 =	vmov s0;
	v3 =	vmov s11  }
0x27: {  	s8 =	simm.s32 $0x5;
	s9 =	simm.s32 $0x6;
	s12 =	simm.s32 $0x7;
	v4 =	vmov s1;
	v5 =	vmov s6;
	v6 =	vmov s7  }
0x28: {  	s15 =	simm.s32 $0x8;
	s17 =	simm.s32 $0x9;
	s18 =	simm.s32 $0xA;
	v7 =	vmov s8;
	v8 =	vmov s9;
	v9 =	vmov s12  }
0x29: {  	s22 =	simm.s32 $0xB;
	s23 =	simm.s32 $0xC;
	v11 =	vmov s15;
	v13 =	vmov s17;
	v14 =	vmov s18  }
0x2a: {  	s26 =	simm.s32 $0xF;
	v15 =	vmov s22;
	v16 =	vmov s23;
	v2 =	vand.u32 $0x70, v2  }
0x2b: {  	v21 =	vmov s26;
	v3 =	vand.u32 $0x71, v3;
	v12 =	vbroadcast v2, $0x0  }
0x2c: {  	v4 =	vand.u32 $0x72, v4;
	v5 =	vand.u32 $0x73, v5;
	v3 =	vbroadcast v3, $0x0  }
0x2d: {  	v6 =	vand.u32 $0x74, v6;
	v4 =	vbroadcast v4, $0x0;
	v10 =	vor.u32 v0, v12  }
0x2e: {  	s25 =	simm.s32 $0x1;
	v7 =	vand.u32 $0x75, v7;
	v5 =	vbroadcast v5, $0x0;
	v17 =	vor.u32 v0, v3  }
0x2f: {  	_ =	swait.ge [sflag:s25], $0x1000;
	v8 =	vand.u32 $0x76, v8;
	v6 =	vbroadcast v6, $0x0;
	v18 =	vor.u32 v0, v4  }
0x30: {  	[sflag:s25] =	ssyncset.done $0x0;
	v9 =	vand.u32 $0x77, v9;
	v7 =	vbroadcast v7, $0x0;
	v19 =	vor.u32 v0, v5  }
0x31: {  	v21 =	vand.u32 $0x7F, v21;
	[sflag:s25] =	ssyncadd.s32 $0xFFFFF000;
	v8 =	vbroadcast v8, $0x0;
	v20 =	vor.u32 v0, v6  }
0x32: {  	v11 =	vand.u32 $0x78, v11;
	v9 =	vbroadcast v9, $0x0;
	v22 =	vor.u32 v0, v7;
	v10 =	vld.idx.msk [tilespmem:v10+s2+$0x0], $0xffff  }
0x33: {  	v13 =	vand.u32 $0x79, v13;
	v21 =	vbroadcast v21, $0x0;
	v23 =	vor.u32 v0, v8;
	v17 =	vld.idx.msk [tilespmem:v17+s2+$0x0], $0xffff  }
0x34: {  	s24 =	simm.s32 $0xD;
	v15 =	vand.u32 $0x7B, v15;
	v11 =	vbroadcast v11, $0x0;
	v24 =	vor.u32 v0, v9;
	v18 =	vld.idx.msk [tilespmem:v18+s2+$0x0], $0xffff  }
0x35: {  	v2 =	vmov s24;
	v13 =	vbroadcast v13, $0x0;
	v25 =	vor.u32 v0, v21;
	v19 =	vld.idx.msk [tilespmem:v19+s2+$0x0], $0xffff  }
0x36: {  	v28 =	vbroadcast v15, $0x0;
	v15 =	vand.u32 $0x7C, v16;
	v26 =	vor.u32 v0, v11;
	v20 =	vld.idx.msk [tilespmem:v20+s2+$0x0], $0xffff  }
0x37: {  	v29 =	vbroadcast v15, $0x0;
	v2 =	vand.u32 $0x7D, v2;
	v27 =	vor.u32 v0, v13;
	v22 =	vld.idx.msk [tilespmem:v22+s2+$0x0], $0xffff  }
0x38: {  	v14 =	vand.u32 $0x7A, v14;
	v15 =	vor.u32 v0, v28;
	v30 =	vbroadcast v2, $0x0;
	v16 =	vld.idx.msk [tilespmem:v23+s2+$0x0], $0xffff  }
0x39: {  	v14 =	vbroadcast v14, $0x0;
	v2 =	vor.u32 v0, v29;
	v24 =	vld.idx.msk [tilespmem:v24+s2+$0x0], $0xffff  }
0x3a: {  	v31 =	vor.u32 v0, v30;
	v25 =	vld.idx.msk [tilespmem:v25+s2+$0x0], $0xffff  }
0x3b: {  	v23 =	vor.u32 v0, v14;
	v26 =	vld.idx.msk [tilespmem:v26+s2+$0x0], $0xffff  }
0x3c: {  	v21 =	vor.u32 v1, v21;
	v27 =	vld.idx.msk [tilespmem:v27+s2+$0x0], $0xffff  }
0x3d: {  	v3 =	vor.u32 v1, v3;
	v32 =	vld.idx.msk [tilespmem:v15+s2+$0x0], $0xffff  }
0x3e: {  	s6 =	simm.s32 $0xE;
	s22 =	simm.s32 $0x2100;
	v4 =	vor.u32 v1, v4;
	v33 =	vld.idx.msk [tilespmem:v2+s2+$0x0], $0xffff  }
0x3f: {  	v5 =	vor.u32 v1, v5;
	v2 =	vmov s6;
	v34 =	vld.idx.msk [tilespmem:v31+s2+$0x0], $0xffff;
	[tilespmem:s22+$0xE0] =	vst v25  }
0x40: {  	v6 =	vor.u32 v1, v6;
	v2 =	vand.u32 $0x7E, v2;
	v23 =	vld.idx.msk [tilespmem:v23+s2+$0x0], $0xffff;
	[tilespmem:s22+$0xFFFFFF20] =	vst v17  }
0x41: {  	v7 =	vor.u32 v1, v7;
	v25 =	vbroadcast v2, $0x0;
	[tilespmem:s22+$0xFFFFFF40] =	vst v18;
	v2 =	vld.idx.msk [tilespmem:v21+s2+$0x0], $0xffff  }
0x42: {  	s10 =	simm.s32 $0x14;
	s7 =	simm.s32 $0x11;
	v8 =	vor.u32 v1, v8;
	[tilespmem:s22+$0xFFFFFF60] =	vst v19;
	v3 =	vld.idx.msk [tilespmem:v3+s2+$0x0], $0xffff  }
0x43: {  	s8 =	simm.s32 $0x12;
	s9 =	simm.s32 $0x13;
	v38 =	vmov s10;
	v35 =	vmov s7;
	[tilespmem:s22+$0xFFFFFF80] =	vst v20;
	v20 =	vor.u32 v1, v9;
	v4 =	vld.idx.msk [tilespmem:v4+s2+$0x0], $0xffff  }
0x44: {  	s11 =	simm.s32 $0x15;
	s12 =	simm.s32 $0x16;
	v36 =	vmov s8;
	v37 =	vmov s9;
	[tilespmem:s22+$0xFFFFFFA0] =	vst v22;
	v22 =	vor.u32 v1, v11;
	v5 =	vld.idx.msk [tilespmem:v5+s2+$0x0], $0xffff  }
0x45: {  	s15 =	simm.s32 $0x17;
	v39 =	vmov s11;
	v40 =	vmov s12;
	s24 =	simm.s32 $0x10;
	v6 =	vld.idx.msk [tilespmem:v6+s2+$0x0], $0xffff;
	v19 =	vor.u32 v0, v25  }
0x46: {  	s28 =	simm.s32 $0xE0;
	s29 =	simm.s32 $0x120;
	v41 =	vmov s15;
	v15 =	vmov s24;
	[tilespmem:s22+$0xFFFFFFC0] =	vst v16;
	v9 =	vld.idx.msk [tilespmem:v7+s2+$0x0], $0xffff;
	v7 =	vor.u32 v1, v13  }
0x47: {  	s31 =	simm.s32 $0x140;
	s23 =	simm.s32 $0x1E0;
	s17 =	simm.s32 $0x18;
	v62 =	vand.u32 $0x74, v38;
	v28 =	vor.u32 v1, v28;
	v31 =	vand.u32 $0x70, v15;
	[tilespmem:s22+$0xFFFFFFE0] =	vst v24;
	v15 =	vld.idx.msk [tilespmem:v8+s2+$0x0], $0xffff  }
0x48: {  	s26 =	simm.s32 $0x1A;
	s10 =	simm.s32 $0x20;
	s25 =	simm.s32 $0x19;
	v61 =	vand.u32 $0x73, v37;
	v63 =	vand.u32 $0x75, v39;
	v16 =	vor.u32 v1, v14;
	[tilespmem:s22+$0x0] =	vst v26;
	v21 =	vld.idx.msk [tilespmem:v20+s2+$0x0], $0xffff  }
0x49: {  	s0 =	sor.u32 $0x70, s28;
	s30 =	sor.u32 $0x30, s29;
	s9 =	simm.s32 $0x1D;
	v17 =	vmov s17;
	v18 =	vmov s25;
	[tilespmem:s22+$0x20] =	vst v27;
	v22 =	vld.idx.msk [tilespmem:v22+s2+$0x0], $0xffff;
	v20 =	vor.u32 v1, v30  }
0x4a: {  	s31 =	sor.u32 $0x50, s31;
	s18 =	sor.u32 $0x70, s23;
	s7 =	simm.s32 $0x1C;
	v14 =	vmov s26;
	v11 =	vmov s9;
	[tilespmem:s22+$0x60] =	vst v32;
	v42 =	vld.idx.msk [tilespmem:v19+s2+$0x0], $0xffff;
	v19 =	vor.u32 v1, v29  }
0x4b: {  	s11 =	simm.s32 $0x40;
	s12 =	simm.s32 $0xA0;
	s15 =	simm.s32 $0x1C0;
	v26 =	vand.u32 $0x71, v35;
	[tilespmem:s18+$0x2000] =	vst v2;
	v2 =	vbroadcast v31, $0x0;
	v24 =	vld.idx.msk [tilespmem:v7+s2+$0x0], $0xffff;
	v29 =	vor.u32 v1, v25  }
0x4c: {  	s10 =	sor.u32 $0x30, s10;
	s8 =	simm.s32 $0x1F;
	s6 =	simm.s32 $0x1B;
	v27 =	vand.u32 $0x72, v36;
	[tilespmem:s22+$0x40] =	vst v23;
	v30 =	vor.u32 v1, v12;
	v7 =	vbroadcast v26, $0x0;
	v26 =	vld.idx.msk [tilespmem:v28+s2+$0x0], $0xffff  }
0x4d: {  	s25 =	simm.s32 $0x60;
	s26 =	simm.s32 $0xC0;
	s17 =	simm.s32 $0x160;
	v13 =	vmov s6;
	[tilespmem:s22+$0xA0] =	vst v34;
	v12 =	vbroadcast v27, $0x0;
	v25 =	vld.idx.msk [tilespmem:v16+s2+$0x0], $0xffff;
	v23 =	vor.u32 v0, v2  }
0x4e: {  	s9 =	sor.u32 $0x50, s11;
	v8 =	vmov s7;
	s7 =	sor.u32 $0x70, s25;
	s6 =	sor.u32 $0x30, s12;
	[tilespmem:s22+$0x80] =	vst v33;
	v16 =	vbroadcast v61, $0x0;
	v31 =	vor.u32 v0, v7;
	v28 =	vld.idx.msk [tilespmem:v20+s2+$0x0], $0xffff  }
0x4f: {  	v35 =	vand.u32 $0x77, v41;
	s1 =	sor.u32 $0x50, s26;
	s29 =	sor.u32 $0x70, s17;
	s18 =	simm.s32 $0x1A0;
	v32 =	vor.u32 v0, v12;
	v27 =	vld.idx.msk [tilespmem:v19+s2+$0x0], $0xffff;
	v19 =	vbroadcast v62, $0x0;
	[tilespmem:s22+$0xC0] =	vst v42  }
0x50: {  	[tilespmem:s22+$0xFFFFFF00] =	vst v10;
	s26 =	sor.u32 $0x50, s15;
	s25 =	simm.s32 $0x20;
	v34 =	vand.u32 $0x76, v40;
	s28 =	sor.u32 $0x30, s18;
	v33 =	vor.u32 v0, v16;
	v20 =	vbroadcast v63, $0x0;
	v29 =	vld.idx.msk [tilespmem:v29+s2+$0x0], $0xffff  }
.LBB2_4:
0x51: {  	p4 =	slt.u32 s25, $0x70;
	v36 =	vor.u32 v0, v19;
	v34 =	vbroadcast v34, $0x0;
	v37 =	vmov s8;
	v30 =	vld.idx.msk [tilespmem:v30+s2+$0x0], $0xffff;
	[tilespmem:s10+$0x2000] =	vst v3  }
0x52: {  	v10 =	vld.idx.msk [tilespmem:v23+s2+$0x0], $0xffff;
	v3 =	vor.u32 v0, v20;
	v23 =	vbroadcast v35, $0x0;
	v35 =	vand.u32 $0x7F, v37;
	[tilespmem:s9+$0x2000] =	vst v4  }
0x53: {  	v17 =	vand.u32 $0x78, v17;
	v4 =	vld.idx.msk [tilespmem:v31+s2+$0x0], $0xffff;
	v31 =	vor.u32 v0, v34;
	v35 =	vbroadcast v35, $0x0;
	[tilespmem:s7+$0x2000] =	vst v5  }
0x54: {  	v18 =	vand.u32 $0x79, v18;
	v17 =	vbroadcast v17, $0x0;
	v5 =	vld.idx.msk [tilespmem:v32+s2+$0x0], $0xffff;
	v32 =	vor.u32 v0, v23;
	[tilespmem:s22+$0xFFFFFF90] =	vst v6  }
0x55: {  	v14 =	vand.u32 $0x7A, v14;
	v18 =	vbroadcast v18, $0x0;
	v6 =	vld.idx.msk [tilespmem:v33+s2+$0x0], $0xffff;
	v33 =	vor.u32 v0, v35;
	[tilespmem:s6+$0x2000] =	vst v9  }
0x56: {  	v13 =	vand.u32 $0x7B, v13;
	v14 =	vbroadcast v14, $0x0;
	v9 =	vld.idx.msk [tilespmem:v36+s2+$0x0], $0xffff;
	v36 =	vor.u32 v0, v17;
	[tilespmem:s1+$0x2000] =	vst v15  }
0x57: {  	v8 =	vand.u32 $0x7C, v8;
	v13 =	vbroadcast v13, $0x0;
	v15 =	vld.idx.msk [tilespmem:v3+s2+$0x0], $0xffff;
	v3 =	vor.u32 v0, v18;
	[tilespmem:s0+$0x2000] =	vst v21  }
0x58: {  	v37 =	vbroadcast v8, $0x0;
	v8 =	vand.u32 $0x7D, v11;
	v21 =	vld.idx.msk [tilespmem:v31+s2+$0x0], $0xffff;
	v31 =	vor.u32 v0, v14;
	[tilespmem:s22+$0x10] =	vst v22  }
0x59: {  	v22 =	vor.u32 v0, v13;
	v11 =	vld.idx.msk [tilespmem:v32+s2+$0x0], $0xffff;
	v32 =	vbroadcast v8, $0x0;
	[tilespmem:s30+$0x2000] =	vst v24  }
0x5a: {  	v8 =	vor.u32 v0, v37;
	v24 =	vld.idx.msk [tilespmem:v33+s2+$0x0], $0xffff;
	[tilespmem:s31+$0x2000] =	vst v25  }
0x5b: {  	v25 =	vld.idx.msk [tilespmem:v36+s2+$0x0], $0xffff;
	v33 =	vor.u32 v0, v32;
	[tilespmem:s29+$0x2000] =	vst v26  }
0x5c: {  	v26 =	vld.idx.msk [tilespmem:v3+s2+$0x0], $0xffff;
	v3 =	vor.u32 v1, v35;
	[tilespmem:s22+$0x90] =	vst v27  }
0x5d: {  	v7 =	vor.u32 v1, v7;
	v27 =	vld.idx.msk [tilespmem:v31+s2+$0x0], $0xffff;
	[tilespmem:s28+$0x2000] =	vst v28  }
0x5e: {  	v12 =	vor.u32 v1, v12;
	s0 =	sadd.s32 $0xE, s24;
	s24 =	smov.u32 s25;
	v28 =	vld.idx.msk [tilespmem:v22+s2+$0x0], $0xffff;
	[tilespmem:s26+$0x2000] =	vst v29  }
0x5f: {  	v16 =	vor.u32 v1, v16;
	v29 =	vld.idx.msk [tilespmem:v8+s2+$0x0], $0xffff;
	v8 =	vmov s0;
	[tilespmem:s22+$0xFFFFFF10] =	vst v30;
	s22 =	sadd.s32 $0x200, s22  }
0x60: {  	v19 =	vor.u32 v1, v19;
	v33 =	vld.idx.msk [tilespmem:v33+s2+$0x0], $0xffff;
	v8 =	vand.u32 $0x7E, v8;
	[tilespmem:s22+$0xE0] =	vst v24  }
0x61: {  	s8 =	sadd.s32 $0x5, s25;
	v20 =	vor.u32 v1, v20;
	s1 =	sadd.s32 $0x2, s25;
	s0 =	sadd.s32 $0x1, s25;
	[tilespmem:s22+$0xFFFFFF20] =	vst v4;
	v30 =	vbroadcast v8, $0x0;
	v8 =	vld.idx.msk [tilespmem:v3+s2+$0x0], $0xffff  }
0x62: {  	s10 =	sadd.s32 $0x7, s25;
	s7 =	sadd.s32 $0x4, s25;
	s6 =	sadd.s32 $0x3, s25;
	v4 =	vmov s25;
	v3 =	vld.idx.msk [tilespmem:v7+s2+$0x0], $0xffff;
	[tilespmem:s22+$0xFFFFFF40] =	vst v5;
	v7 =	vor.u32 v1, v34  }
0x63: {  	s15 =	sadd.s32 $0x8, s25;
	s17 =	sadd.s32 $0xB, s25;
	s9 =	sadd.s32 $0x6, s25;
	v22 =	vand.u32 $0x70, v4;
	v4 =	vld.idx.msk [tilespmem:v12+s2+$0x0], $0xffff;
	[tilespmem:s22+$0xFFFFFF60] =	vst v6;
	v12 =	vor.u32 v0, v30  }
0x64: {  	s23 =	sadd.s32 $0x200, s23;
	v31 =	vmov s1;
	s1 =	sadd.s32 $0xA, s25;
	v24 =	vmov s0;
	s0 =	sadd.s32 $0x9, s25;
	v5 =	vld.idx.msk [tilespmem:v16+s2+$0x0], $0xffff;
	[tilespmem:s22+$0xFFFFFF80] =	vst v9;
	v16 =	vor.u32 v1, v23  }
0x65: {  	s18 =	sor.u32 $0x70, s23;
	v34 =	vmov s7;
	s7 =	sadd.s32 $0xD, s25;
	v23 =	vmov s6;
	s6 =	sadd.s32 $0xC, s25;
	v6 =	vld.idx.msk [tilespmem:v19+s2+$0x0], $0xffff;
	[tilespmem:s22+$0xFFFFFFA0] =	vst v15;
	v19 =	vor.u32 v1, v17  }
0x66: {  	s12 =	sadd.s32 $0xFFFFFFC0, s23;
	v36 =	vmov s9;
	s9 =	sadd.s32 $0xFFFFFE60, s23;
	v35 =	vmov s8;
	s8 =	sadd.s32 $0xFFFFFE40, s23;
	v9 =	vld.idx.msk [tilespmem:v20+s2+$0x0], $0xffff;
	[tilespmem:s22+$0xFFFFFFC0] =	vst v21;
	v20 =	vor.u32 v1, v18  }
0x67: {  	v38 =	vmov s10;
	v39 =	vor.u32 v1, v14;
	s28 =	sadd.s32 $0xFFFFFEE0, s23;
	s26 =	sadd.s32 $0xFFFFFEC0, s23;
	v17 =	vmov s15;
	s15 =	sadd.s32 $0xFFFFFE80, s23;
	v15 =	vld.idx.msk [tilespmem:v7+s2+$0x0], $0xffff;
	[tilespmem:s18+$0x2000] =	vst v8  }
0x68: {  	v40 =	vor.u32 v1, v13;
	s29 =	sadd.s32 $0xFFFFFF60, s23;
	v14 =	vmov s1;
	v18 =	vmov s0;
	s0 =	sadd.s32 $0xFFFFFF00, s23;
	s18 =	sadd.s32 $0xFFFFFF40, s23;
	[tilespmem:s22+$0xFFFFFFE0] =	vst v11;
	v41 =	vld.idx.msk [tilespmem:v12+s2+$0x0], $0xffff  }
0x69: {  	s11 =	sadd.s32 $0xFFFFFFE0, s23;
	v13 =	vmov s17;
	s17 =	sadd.s32 $0xFFFFFF80, s23;
	v37 =	vor.u32 v1, v37;
	s9 =	sor.u32 $0x50, s9;
	v8 =	vmov s6;
	v21 =	vld.idx.msk [tilespmem:v16+s2+$0x0], $0xffff;
	[tilespmem:s22+$0x0] =	vst v25  }
0x6a: {  	v42 =	vor.u32 v1, v32;
	s31 =	sor.u32 $0x50, s29;
	s10 =	sor.u32 $0x30, s8;
	v11 =	vmov s7;
	s7 =	sor.u32 $0x70, s15;
	v16 =	vbroadcast v22, $0x0;
	v22 =	vld.idx.msk [tilespmem:v19+s2+$0x0], $0xffff;
	[tilespmem:s22+$0x20] =	vst v26  }
0x6b: {  	s1 =	sor.u32 $0x50, s28;
	v43 =	vor.u32 v1, v30;
	v7 =	vand.u32 $0x71, v24;
	s6 =	sor.u32 $0x30, s26;
	s0 =	sor.u32 $0x70, s0;
	v12 =	vand.u32 $0x72, v31;
	v24 =	vld.idx.msk [tilespmem:v20+s2+$0x0], $0xffff;
	[tilespmem:s22+$0x40] =	vst v27  }
.Ltmp5:
0x6c: {  	s29 =	sor.u32 $0x70, s17;
	v30 =	vor.u32 v1, v2;
	v7 =	vbroadcast v7, $0x0;
	s30 =	sor.u32 $0x30, s18;
	v19 =	vand.u32 $0x73, v23;
	v25 =	vld.idx.msk [tilespmem:v39+s2+$0x0], $0xffff;
	[tilespmem:s22+$0x60] =	vst v28;
	(pc) =	sbr.rel @p4 .LBB2_4-.Ltmp5, $4  }
0x6d: {  	s28 =	sor.u32 $0x30, s12;
	s26 =	sor.u32 $0x50, s11;
	v12 =	vbroadcast v12, $0x0;
	v23 =	vor.u32 v0, v16;
	v20 =	vand.u32 $0x74, v34;
	v2 =	vmovc v16;
	v26 =	vld.idx.msk [tilespmem:v40+s2+$0x0], $0xffff;
	[tilespmem:s22+$0x80] =	vst v29  }
0x6e: {  	v31 =	vor.u32 v0, v7;
	v16 =	vbroadcast v19, $0x0;
	v29 =	vand.u32 $0x75, v35;
	v27 =	vld.idx.msk [tilespmem:v37+s2+$0x0], $0xffff;
	[tilespmem:s22+$0xA0] =	vst v33  }
0x6f: {  	v32 =	vor.u32 v0, v12;
	v34 =	vand.u32 $0x76, v36;
	v19 =	vbroadcast v20, $0x0;
	v28 =	vld.idx.msk [tilespmem:v42+s2+$0x0], $0xffff;
	[tilespmem:s22+$0xC0] =	vst v41  }
0x70: {  	s8 =	sadd.s32 $0xF, s24;
	s25 =	sadd.s32 $0x10, s25;
	v35 =	vand.u32 $0x77, v38;
	v33 =	vor.u32 v0, v16;
	v20 =	vbroadcast v29, $0x0;
	[tilespmem:s22+$0xFFFFFF00] =	vst v10;
	v29 =	vld.idx.msk [tilespmem:v43+s2+$0x0], $0xffff  }
0x71: {  	[tilespmem:s10+$0x2000] =	vst v3  }
0x72: {  	[tilespmem:s9+$0x2000] =	vst v4  }
0x73: {  	[tilespmem:s7+$0x2000] =	vst v5  }
0x74: {  	[tilespmem:s22+$0xFFFFFF90] =	vst v6  }
0x75: {  	[tilespmem:s6+$0x2000] =	vst v9  }
0x76: {  	[tilespmem:s1+$0x2000] =	vst v15  }
0x77: {  	v3 =	vmov s8;
	[tilespmem:s0+$0x2000] =	vst v21  }
0x78: {  	[tilespmem:s22+$0x10] =	vst v22;
	v47 =	vor.u32 v0, v19;
	v3 =	vand.u32 $0x7F, v3  }
0x79: {  	[tilespmem:s30+$0x2000] =	vst v24;
	v55 =	vld.idx.msk [tilespmem:v33+s2+$0x0], $0xffff;
	v10 =	vor.u32 v0, v20;
	v3 =	vbroadcast v3, $0x0  }
0x7a: {  	v48 =	vbroadcast v34, $0x0;
	v49 =	vld.idx.msk [tilespmem:v30+s2+$0x0], $0xffff;
	[tilespmem:s31+$0x2000] =	vst v25;
	v42 =	vor.u32 v1, v16  }
0x7b: {  	v50 =	vbroadcast v35, $0x0;
	v17 =	vand.u32 $0x78, v17;
	v51 =	vld.idx.msk [tilespmem:v31+s2+$0x0], $0xffff;
	[tilespmem:s29+$0x2000] =	vst v26;
	v46 =	vor.u32 v0, v3  }
0x7c: {  	v18 =	vand.u32 $0x79, v18;
	v53 =	vld.idx.msk [tilespmem:v32+s2+$0x0], $0xffff;
	v17 =	vbroadcast v17, $0x0;
	v52 =	vor.u32 v0, v48;
	[tilespmem:s22+$0x90] =	vst v27  }
0x7d: {  	v14 =	vand.u32 $0x7A, v14;
	s0 =	sadd.s32 $0x200, s22;
	v18 =	vbroadcast v18, $0x0;
	v54 =	vor.u32 v0, v50;
	[tilespmem:s28+$0x2000] =	vst v28;
	v5 =	vld.idx.msk [tilespmem:v47+s2+$0x0], $0xffff  }
0x7e: {  	v14 =	vbroadcast v14, $0x0;
	v56 =	vor.u32 v0, v17;
	[tilespmem:s0+$0xFFFFFF60] =	vst v55;
	v58 =	vld.idx.msk [tilespmem:v10+s2+$0x0], $0xffff  }
0x7f: {  	v13 =	vand.u32 $0x7B, v13;
	v57 =	vor.u32 v0, v18;
	[tilespmem:s22+$0xFFFFFF10] =	vst v49;
	v49 =	vld.idx.msk [tilespmem:v42+s2+$0x0], $0xffff  }
0x80: {  	v8 =	vand.u32 $0x7C, v8;
	v59 =	vbroadcast v13, $0x0;
	v60 =	vor.u32 v0, v14;
	[tilespmem:s26+$0x2000] =	vst v29;
	v4 =	vld.idx.msk [tilespmem:v46+s2+$0x0], $0xffff  }
0x81: {  	s30 =	sadd.s32 $0xE, s24;
	v11 =	vand.u32 $0x7D, v11;
	v8 =	vbroadcast v8, $0x0;
	v3 =	vor.u32 v1, v3;
	[tilespmem:s0+$0xFFFFFF20] =	vst v51;
	v61 =	vld.idx.msk [tilespmem:v52+s2+$0x0], $0xffff  }
0x82: {  	v62 =	vmov s30;
	v11 =	vbroadcast v11, $0x0;
	v63 =	vor.u32 v0, v59;
	[tilespmem:s0+$0xFFFFFF40] =	vst v53;
	v32 =	vld.idx.msk [tilespmem:v54+s2+$0x0], $0xffff  }
0x83: {  	s31 =	sadd.s32 $0x200, s23;
	v22 =	vand.u32 $0x7E, v62;
	v33 =	vor.u32 v0, v8;
	v34 =	vld.idx.msk [tilespmem:v56+s2+$0x0], $0xffff;
	[tilespmem:s0+$0xFFFFFF80] =	vst v5  }
0x84: {  	s10 =	sadd.s32 $0xFFFFFE80, s31;
	v22 =	vbroadcast v22, $0x0;
	v35 =	vor.u32 v0, v11;
	v36 =	vld.idx.msk [tilespmem:v57+s2+$0x0], $0xffff;
	[tilespmem:s0+$0xFFFFFFA0] =	vst v58  }
0x85: {  	s11 =	sor.u32 $0x70, s10;
	v38 =	vld.idx.msk [tilespmem:v60+s2+$0x0], $0xffff;
	[tilespmem:s0+$0xE0] =	vst v4  }
0x86: {  	v37 =	vor.u32 v0, v22;
	[tilespmem:s11+$0x2000] =	vst v49;
	v3 =	vld.idx.msk [tilespmem:v3+s2+$0x0], $0xffff  }
0x87: {  	v44 =	vor.u32 v1, v19;
	v40 =	vld.idx.msk [tilespmem:v63+s2+$0x0], $0xffff;
	[tilespmem:s0+$0xFFFFFFC0] =	vst v61  }
0x88: {  	v6 =	vor.u32 v1, v48;
	v41 =	vld.idx.msk [tilespmem:v33+s2+$0x0], $0xffff;
	[tilespmem:s0+$0xFFFFFFE0] =	vst v32  }
0x89: {  	v48 =	vor.u32 v1, v50;
	v43 =	vld.idx.msk [tilespmem:v35+s2+$0x0], $0xffff;
	[tilespmem:s0+$0x0] =	vst v34  }
0x8a: {  	v39 =	vor.u32 v1, v7;
	s7 =	sor.u32 $0x70, s31;
	v46 =	vld.idx.msk [tilespmem:v23+s2+$0x0], $0xffff;
	[tilespmem:s0+$0x20] =	vst v36  }
0x8b: {  	v45 =	vld.idx.msk [tilespmem:v37+s2+$0x0], $0xffff;
	[tilespmem:s7+$0x2000] =	vst v3;
	v3 =	vor.u32 v1, v12  }
0x8c: {  	v55 =	vor.u32 v1, v59;
	v51 =	vld.idx.msk [tilespmem:v44+s2+$0x0], $0xffff;
	[tilespmem:s0+$0x40] =	vst v38  }
0x8d: {  	v57 =	vor.u32 v1, v8;
	[tilespmem:s0+$0x60] =	vst v40;
	v54 =	vld.idx.msk [tilespmem:v6+s2+$0x0], $0xffff  }
0x8e: {  	[tilespmem:s0+$0x80] =	vst v41;
	v56 =	vld.idx.msk [tilespmem:v48+s2+$0x0], $0xffff  }
0x8f: {  	v2 =	vor.u32 v1, v2;
	[tilespmem:s0+$0xA0] =	vst v43;
	v4 =	vld.idx.msk [tilespmem:v39+s2+$0x0], $0xffff  }
0x90: {  	v50 =	vor.u32 v1, v17;
	[tilespmem:s0+$0xFFFFFF00] =	vst v46;
	v3 =	vld.idx.msk [tilespmem:v3+s2+$0x0], $0xffff  }
0x91: {  	s17 =	sadd.s32 $0xFFFFFF00, s31;
	v52 =	vor.u32 v1, v18;
	v6 =	vld.idx.msk [tilespmem:v55+s2+$0x0], $0xffff;
	[tilespmem:s0+$0xC0] =	vst v45  }
0x92: {  	s8 =	sadd.s32 $0xFFFFFE40, s31;
	s18 =	sor.u32 $0x70, s17;
	v58 =	vor.u32 v1, v11;
	v62 =	vld.idx.msk [tilespmem:v57+s2+$0x0], $0xffff;
	[tilespmem:s0+$0xFFFFFF90] =	vst v51  }
0x93: {  	s9 =	sadd.s32 $0xFFFFFE60, s31;
	s6 =	sor.u32 $0x30, s8;
	v47 =	vor.u32 v1, v20;
	[tilespmem:s18+$0x2000] =	vst v56  }
0x94: {  	s24 =	sadd.s32 $0xFFFFFF80, s31;
	v14 =	vor.u32 v1, v14;
	v2 =	vld.idx.msk [tilespmem:v2+s2+$0x0], $0xffff;
	[tilespmem:s6+$0x2000] =	vst v4;
	s7 =	sor.u32 $0x50, s9  }
0x95: {  	s25 =	sor.u32 $0x70, s24;
	v60 =	vor.u32 v1, v22;
	[tilespmem:s7+$0x2000] =	vst v3;
	v3 =	vld.idx.msk [tilespmem:v50+s2+$0x0], $0xffff  }
0x96: {  	s15 =	sadd.s32 $0xFFFFFEE0, s31;
	v59 =	vld.idx.msk [tilespmem:v52+s2+$0x0], $0xffff;
	[tilespmem:s25+$0x2000] =	vst v6  }
0x97: {  	v63 =	vld.idx.msk [tilespmem:v58+s2+$0x0], $0xffff;
	s6 =	sor.u32 $0x50, s15;
	[tilespmem:s0+$0x90] =	vst v62  }
0x98: {  	v53 =	vld.idx.msk [tilespmem:v47+s2+$0x0], $0xffff;
	[tilespmem:s6+$0x2000] =	vst v54  }
0x99: {  	s22 =	sadd.s32 $0xFFFFFF40, s31;
	v61 =	vld.idx.msk [tilespmem:v14+s2+$0x0], $0xffff;
	[tilespmem:s0+$0xFFFFFF10] =	vst v2  }
0x9a: {  	s26 =	sadd.s32 $0xFFFFFFC0, s31;
	s6 =	sor.u32 $0x30, s22;
	[tilespmem:s0+$0x10] =	vst v3;
	v3 =	vld.idx.msk [tilespmem:v60+s2+$0x0], $0xffff  }
0x9b: {  	s12 =	sadd.s32 $0xFFFFFEC0, s31;
	s28 =	sor.u32 $0x30, s26;
	[tilespmem:s6+$0x2000] =	vst v59  }
0x9c: {  	s23 =	sadd.s32 $0xFFFFFF60, s31;
	[tilespmem:s28+$0x2000] =	vst v63;
	s7 =	sor.u32 $0x30, s12  }
0x9d: {  	s1 =	sadd.s32 $0xFFFFFFE0, s31;
	[tilespmem:s7+$0x2000] =	vst v53;
	s7 =	sor.u32 $0x50, s23  }
0x9e: {  	s29 =	sshll.u32 s19, $0xF;
	s1 =	sor.u32 $0x50, s1;
	[tilespmem:s7+$0x2000] =	vst v61  }
0x9f: {  	s30 =	sadd.s32 s29, s5;
	s31 =	simm.s32 $0x2000;
	[tilespmem:s1+$0x2000] =	vst v3  }
0xa0: {  	[hbm4b:s30+s2] =	stream.linear.scatter [tilespmem:s31], [sflag:$0x3], $0x1000, $0x38;
	[tilespmem:$0x5000] =	vst v63  }
.LBB2_6:
0xa1: {  	s0 =	sadd.s32 $0x2, s21  }
0xa2: {  	p4 =	sge.u32 s0, s3  }
0xa3: {  	s0 =	sshll.u32 @!p4 s0, $0xC;
	s1 =	simm.s32 @!p4 $0x400  }
0xa4: {  	s6 =	simm.s32 @!p4 $0x7A1400;
	s7 =	simm.s32 @!p4 $0x0;
	s0 =	sadd.s32 @!p4 s0, s4  }
0xa5: {  	[tilespmem:s7], [sflag:$0x1] =	stream.strided.gather @!p4 [hbm4b:s0+s1], $0x1000, s6, s1, $0x38;
	[tilespmem:$0x5000] =	vst v63  }
.Ltmp6:
0xa6: {  	_ = 	snop;
	(pc) =	sbr.rel @p2 .LBB2_10-.Ltmp6, $4  }
0xa7: {  	s0 =	simm.s32 @!p3 $0x4  }
0xa8: {  	_ =	swait.ge @!p3 [sflag:s0], $0x1000  }
0xa9: {  	[sflag:s0] =	ssyncset.done @!p3 $0x0  }
0xaa: {  	[sflag:s0] =	ssyncadd.s32 @!p3 $0xFFFFF000  }
0xab: {  	s0 =	simm.s32 $0x0;
	s17 =	simm.s32 $0x1  }
0xac: {  	s1 =	simm.s32 $0x2;
	s6 =	simm.s32 $0x3;
	s7 =	simm.s32 $0x4;
	v2 =	vmov s0;
	v3 =	vmov s17  }
0xad: {  	s8 =	simm.s32 $0x5;
	s9 =	simm.s32 $0x6;
	s18 =	simm.s32 $0x7;
	v4 =	vmov s1;
	v5 =	vmov s6;
	v6 =	vmov s7  }
0xae: {  	s21 =	simm.s32 $0x8;
	s22 =	simm.s32 $0x9;
	s23 =	simm.s32 $0xA;
	v7 =	vmov s8;
	v8 =	vmov s9;
	v9 =	vmov s18  }
0xaf: {  	s24 =	simm.s32 $0xB;
	s25 =	simm.s32 $0xC;
	v11 =	vmov s21;
	v13 =	vmov s22;
	v14 =	vmov s23  }
0xb0: {  	s31 =	simm.s32 $0xF;
	v15 =	vmov s24;
	v16 =	vmov s25;
	v2 =	vand.u32 $0x70, v2  }
0xb1: {  	v21 =	vmov s31;
	v3 =	vand.u32 $0x71, v3;
	v12 =	vbroadcast v2, $0x0  }
0xb2: {  	v4 =	vand.u32 $0x72, v4;
	v5 =	vand.u32 $0x73, v5;
	v3 =	vbroadcast v3, $0x0  }
0xb3: {  	v6 =	vand.u32 $0x74, v6;
	v4 =	vbroadcast v4, $0x0;
	v10 =	vor.u32 v0, v12  }
0xb4: {  	v7 =	vand.u32 $0x75, v7;
	v5 =	vbroadcast v5, $0x0;
	v17 =	vor.u32 v0, v3  }
0xb5: {  	_ =	swait.ge [sflag:s13], $0x1000;
	v8 =	vand.u32 $0x76, v8;
	v6 =	vbroadcast v6, $0x0;
	v18 =	vor.u32 v0, v4  }
0xb6: {  	[sflag:s13] =	ssyncset.done $0x0;
	v9 =	vand.u32 $0x77, v9;
	v7 =	vbroadcast v7, $0x0;
	v19 =	vor.u32 v0, v5  }
0xb7: {  	[sflag:s13] =	ssyncadd.s32 $0xFFFFF000;
	v21 =	vand.u32 $0x7F, v21;
	v8 =	vbroadcast v8, $0x0;
	v20 =	vor.u32 v0, v6  }
0xb8: {  	v11 =	vand.u32 $0x78, v11;
	v9 =	vbroadcast v9, $0x0;
	v22 =	vor.u32 v0, v7;
	v10 =	vld.idx.msk [tilespmem:v10+s14+$0x0], $0xffff  }
0xb9: {  	v13 =	vand.u32 $0x79, v13;
	v21 =	vbroadcast v21, $0x0;
	v23 =	vor.u32 v0, v8;
	v17 =	vld.idx.msk [tilespmem:v17+s14+$0x0], $0xffff  }
0xba: {  	s26 =	simm.s32 $0xD;
	v15 =	vand.u32 $0x7B, v15;
	v11 =	vbroadcast v11, $0x0;
	v24 =	vor.u32 v0, v9;
	v18 =	vld.idx.msk [tilespmem:v18+s14+$0x0], $0xffff  }
0xbb: {  	v2 =	vmov s26;
	v13 =	vbroadcast v13, $0x0;
	v25 =	vor.u32 v0, v21;
	v19 =	vld.idx.msk [tilespmem:v19+s14+$0x0], $0xffff  }
0xbc: {  	v28 =	vbroadcast v15, $0x0;
	v15 =	vand.u32 $0x7C, v16;
	v26 =	vor.u32 v0, v11;
	v20 =	vld.idx.msk [tilespmem:v20+s14+$0x0], $0xffff  }
0xbd: {  	v29 =	vbroadcast v15, $0x0;
	v2 =	vand.u32 $0x7D, v2;
	v27 =	vor.u32 v0, v13;
	v22 =	vld.idx.msk [tilespmem:v22+s14+$0x0], $0xffff  }
0xbe: {  	v14 =	vand.u32 $0x7A, v14;
	v15 =	vor.u32 v0, v28;
	v30 =	vbroadcast v2, $0x0;
	v16 =	vld.idx.msk [tilespmem:v23+s14+$0x0], $0xffff  }
0xbf: {  	v14 =	vbroadcast v14, $0x0;
	v2 =	vor.u32 v0, v29;
	v24 =	vld.idx.msk [tilespmem:v24+s14+$0x0], $0xffff  }
0xc0: {  	v31 =	vor.u32 v0, v30;
	v25 =	vld.idx.msk [tilespmem:v25+s14+$0x0], $0xffff  }
0xc1: {  	v23 =	vor.u32 v0, v14;
	v26 =	vld.idx.msk [tilespmem:v26+s14+$0x0], $0xffff  }
0xc2: {  	v21 =	vor.u32 v1, v21;
	v27 =	vld.idx.msk [tilespmem:v27+s14+$0x0], $0xffff  }
0xc3: {  	v3 =	vor.u32 v1, v3;
	v32 =	vld.idx.msk [tilespmem:v15+s14+$0x0], $0xffff  }
0xc4: {  	s1 =	simm.s32 $0xE;
	s21 =	simm.s32 $0x3100;
	v4 =	vor.u32 v1, v4;
	v33 =	vld.idx.msk [tilespmem:v2+s14+$0x0], $0xffff  }
0xc5: {  	v5 =	vor.u32 v1, v5;
	v2 =	vmov s1;
	v34 =	vld.idx.msk [tilespmem:v31+s14+$0x0], $0xffff;
	[tilespmem:s21+$0xE0] =	vst v25  }
0xc6: {  	v6 =	vor.u32 v1, v6;
	v2 =	vand.u32 $0x7E, v2;
	v23 =	vld.idx.msk [tilespmem:v23+s14+$0x0], $0xffff;
	[tilespmem:s21+$0xFFFFFF20] =	vst v17  }
0xc7: {  	v7 =	vor.u32 v1, v7;
	v25 =	vbroadcast v2, $0x0;
	[tilespmem:s21+$0xFFFFFF40] =	vst v18;
	v2 =	vld.idx.msk [tilespmem:v21+s14+$0x0], $0xffff  }
0xc8: {  	s10 =	simm.s32 $0x15;
	s11 =	simm.s32 $0x16;
	v8 =	vor.u32 v1, v8;
	[tilespmem:s21+$0xFFFFFF60] =	vst v19;
	v3 =	vld.idx.msk [tilespmem:v3+s14+$0x0], $0xffff  }
0xc9: {  	s12 =	simm.s32 $0x17;
	s6 =	simm.s32 $0x11;
	v39 =	vmov s10;
	v40 =	vmov s11;
	[tilespmem:s21+$0xFFFFFF80] =	vst v20;
	v20 =	vor.u32 v1, v9;
	v4 =	vld.idx.msk [tilespmem:v4+s14+$0x0], $0xffff  }
0xca: {  	s7 =	simm.s32 $0x12;
	s8 =	simm.s32 $0x13;
	v41 =	vmov s12;
	v35 =	vmov s6;
	[tilespmem:s21+$0xFFFFFFA0] =	vst v22;
	v22 =	vor.u32 v1, v11;
	v5 =	vld.idx.msk [tilespmem:v5+s14+$0x0], $0xffff  }
0xcb: {  	s23 =	simm.s32 $0x10;
	s9 =	simm.s32 $0x14;
	v36 =	vmov s7;
	v37 =	vmov s8;
	v6 =	vld.idx.msk [tilespmem:v6+s14+$0x0], $0xffff;
	v19 =	vor.u32 v0, v25  }
0xcc: {  	s15 =	simm.s32 $0x18;
	s22 =	simm.s32 $0x1E0;
	v38 =	vmov s9;
	v15 =	vmov s23;
	[tilespmem:s21+$0xFFFFFFC0] =	vst v16;
	v9 =	vld.idx.msk [tilespmem:v7+s14+$0x0], $0xffff;
	v7 =	vor.u32 v1, v13  }
0xcd: {  	s18 =	simm.s32 $0x19;
	s24 =	simm.s32 $0x1A;
	s25 =	simm.s32 $0x1B;
	v63 =	vand.u32 $0x75, v39;
	v28 =	vor.u32 v1, v28;
	v31 =	vand.u32 $0x70, v15;
	[tilespmem:s21+$0xFFFFFFE0] =	vst v24;
	v15 =	vld.idx.msk [tilespmem:v8+s14+$0x0], $0xffff  }
0xce: {  	s31 =	simm.s32 $0x1D;
	s11 =	simm.s32 $0x60;
	s12 =	simm.s32 $0xC0;
	v61 =	vand.u32 $0x73, v37;
	v17 =	vmov s15;
	v16 =	vor.u32 v1, v14;
	[tilespmem:s21+$0x0] =	vst v26;
	v21 =	vld.idx.msk [tilespmem:v20+s14+$0x0], $0xffff  }
0xcf: {  	s17 =	sor.u32 $0x70, s22;
	s8 =	simm.s32 $0x20;
	s9 =	simm.s32 $0x40;
	v18 =	vmov s18;
	v14 =	vmov s24;
	[tilespmem:s21+$0x20] =	vst v27;
	v22 =	vld.idx.msk [tilespmem:v22+s14+$0x0], $0xffff;
	v20 =	vor.u32 v1, v30  }
0xd0: {  	s7 =	sor.u32 $0x70, s11;
	s26 =	simm.s32 $0x1C;
	s10 =	sor.u32 $0x30, s8;
	v11 =	vmov s31;
	v26 =	vand.u32 $0x71, v35;
	[tilespmem:s21+$0x60] =	vst v32;
	v42 =	vld.idx.msk [tilespmem:v19+s14+$0x0], $0xffff;
	v19 =	vor.u32 v1, v29  }
0xd1: {  	s9 =	sor.u32 $0x50, s9;
	s8 =	simm.s32 $0x1F;
	s1 =	sor.u32 $0x50, s12;
	v27 =	vand.u32 $0x72, v36;
	[tilespmem:s17+$0x3000] =	vst v2;
	v2 =	vbroadcast v31, $0x0;
	v24 =	vld.idx.msk [tilespmem:v7+s14+$0x0], $0xffff;
	v29 =	vor.u32 v1, v25  }
0xd2: {  	s15 =	simm.s32 $0xE0;
	s18 =	simm.s32 $0x140;
	s24 =	simm.s32 $0x160;
	v13 =	vmov s25;
	[tilespmem:s21+$0x40] =	vst v23;
	v30 =	vor.u32 v1, v12;
	v7 =	vbroadcast v26, $0x0;
	v26 =	vld.idx.msk [tilespmem:v28+s14+$0x0], $0xffff  }
0xd3: {  	s31 =	simm.s32 $0x1C0;
	v8 =	vmov s26;
	s26 =	simm.s32 $0xA0;
	s25 =	simm.s32 $0x1A0;
	[tilespmem:s21+$0xA0] =	vst v34;
	v12 =	vbroadcast v27, $0x0;
	v25 =	vld.idx.msk [tilespmem:v16+s14+$0x0], $0xffff;
	v23 =	vor.u32 v0, v2  }
0xd4: {  	v62 =	vand.u32 $0x74, v38;
	[tilespmem:s21+$0x80] =	vst v33;
	s0 =	sor.u32 $0x70, s15;
	s30 =	sor.u32 $0x50, s18;
	s28 =	sor.u32 $0x70, s24;
	v16 =	vbroadcast v61, $0x0;
	v31 =	vor.u32 v0, v7;
	v28 =	vld.idx.msk [tilespmem:v20+s14+$0x0], $0xffff  }
0xd5: {  	v35 =	vand.u32 $0x77, v41;
	s24 =	simm.s32 $0x20;
	s6 =	sor.u32 $0x30, s26;
	s17 =	simm.s32 $0x120;
	v32 =	vor.u32 v0, v12;
	v27 =	vld.idx.msk [tilespmem:v19+s14+$0x0], $0xffff;
	v19 =	vbroadcast v62, $0x0;
	[tilespmem:s21+$0xC0] =	vst v42  }
0xd6: {  	[tilespmem:s21+$0xFFFFFF00] =	vst v10;
	s26 =	sor.u32 $0x30, s25;
	v34 =	vand.u32 $0x76, v40;
	s25 =	sor.u32 $0x50, s31;
	s29 =	sor.u32 $0x30, s17;
	v33 =	vor.u32 v0, v16;
	v20 =	vbroadcast v63, $0x0;
	v29 =	vld.idx.msk [tilespmem:v29+s14+$0x0], $0xffff  }
.LBB2_8:
0xd7: {  	p2 =	slt.u32 s24, $0x70;
	v36 =	vor.u32 v0, v19;
	v34 =	vbroadcast v34, $0x0;
	v37 =	vmov s8;
	v30 =	vld.idx.msk [tilespmem:v30+s14+$0x0], $0xffff;
	[tilespmem:s10+$0x3000] =	vst v3  }
0xd8: {  	v10 =	vld.idx.msk [tilespmem:v23+s14+$0x0], $0xffff;
	v3 =	vor.u32 v0, v20;
	v23 =	vbroadcast v35, $0x0;
	v35 =	vand.u32 $0x7F, v37;
	[tilespmem:s9+$0x3000] =	vst v4  }
0xd9: {  	v17 =	vand.u32 $0x78, v17;
	v4 =	vld.idx.msk [tilespmem:v31+s14+$0x0], $0xffff;
	v31 =	vor.u32 v0, v34;
	v35 =	vbroadcast v35, $0x0;
	[tilespmem:s7+$0x3000] =	vst v5  }
0xda: {  	v18 =	vand.u32 $0x79, v18;
	v17 =	vbroadcast v17, $0x0;
	v5 =	vld.idx.msk [tilespmem:v32+s14+$0x0], $0xffff;
	v32 =	vor.u32 v0, v23;
	[tilespmem:s21+$0xFFFFFF90] =	vst v6  }
0xdb: {  	v14 =	vand.u32 $0x7A, v14;
	v18 =	vbroadcast v18, $0x0;
	v6 =	vld.idx.msk [tilespmem:v33+s14+$0x0], $0xffff;
	v33 =	vor.u32 v0, v35;
	[tilespmem:s6+$0x3000] =	vst v9  }
0xdc: {  	v13 =	vand.u32 $0x7B, v13;
	v14 =	vbroadcast v14, $0x0;
	v9 =	vld.idx.msk [tilespmem:v36+s14+$0x0], $0xffff;
	v36 =	vor.u32 v0, v17;
	[tilespmem:s1+$0x3000] =	vst v15  }
0xdd: {  	v8 =	vand.u32 $0x7C, v8;
	v13 =	vbroadcast v13, $0x0;
	v15 =	vld.idx.msk [tilespmem:v3+s14+$0x0], $0xffff;
	v3 =	vor.u32 v0, v18;
	[tilespmem:s0+$0x3000] =	vst v21  }
0xde: {  	v37 =	vbroadcast v8, $0x0;
	v8 =	vand.u32 $0x7D, v11;
	v21 =	vld.idx.msk [tilespmem:v31+s14+$0x0], $0xffff;
	v31 =	vor.u32 v0, v14;
	[tilespmem:s21+$0x10] =	vst v22  }
0xdf: {  	v22 =	vor.u32 v0, v13;
	v11 =	vld.idx.msk [tilespmem:v32+s14+$0x0], $0xffff;
	v32 =	vbroadcast v8, $0x0;
	[tilespmem:s29+$0x3000] =	vst v24  }
0xe0: {  	v8 =	vor.u32 v0, v37;
	v24 =	vld.idx.msk [tilespmem:v33+s14+$0x0], $0xffff;
	[tilespmem:s30+$0x3000] =	vst v25  }
0xe1: {  	v25 =	vld.idx.msk [tilespmem:v36+s14+$0x0], $0xffff;
	v33 =	vor.u32 v0, v32;
	[tilespmem:s28+$0x3000] =	vst v26  }
0xe2: {  	v26 =	vld.idx.msk [tilespmem:v3+s14+$0x0], $0xffff;
	v3 =	vor.u32 v1, v35;
	[tilespmem:s21+$0x90] =	vst v27  }
0xe3: {  	v7 =	vor.u32 v1, v7;
	v27 =	vld.idx.msk [tilespmem:v31+s14+$0x0], $0xffff;
	[tilespmem:s26+$0x3000] =	vst v28  }
0xe4: {  	v12 =	vor.u32 v1, v12;
	s0 =	sadd.s32 $0xE, s23;
	s23 =	smov.u32 s24;
	v28 =	vld.idx.msk [tilespmem:v22+s14+$0x0], $0xffff;
	[tilespmem:s25+$0x3000] =	vst v29  }
0xe5: {  	v16 =	vor.u32 v1, v16;
	v29 =	vld.idx.msk [tilespmem:v8+s14+$0x0], $0xffff;
	v8 =	vmov s0;
	[tilespmem:s21+$0xFFFFFF10] =	vst v30;
	s21 =	sadd.s32 $0x200, s21  }
0xe6: {  	v19 =	vor.u32 v1, v19;
	v33 =	vld.idx.msk [tilespmem:v33+s14+$0x0], $0xffff;
	v8 =	vand.u32 $0x7E, v8;
	[tilespmem:s21+$0xE0] =	vst v24  }
0xe7: {  	s10 =	sadd.s32 $0x7, s24;
	v20 =	vor.u32 v1, v20;
	s1 =	sadd.s32 $0x2, s24;
	s0 =	sadd.s32 $0x1, s24;
	[tilespmem:s21+$0xFFFFFF20] =	vst v4;
	v30 =	vbroadcast v8, $0x0;
	v8 =	vld.idx.msk [tilespmem:v3+s14+$0x0], $0xffff  }
0xe8: {  	s8 =	sadd.s32 $0x5, s24;
	v38 =	vmov s10;
	s7 =	sadd.s32 $0x4, s24;
	s6 =	sadd.s32 $0x3, s24;
	v4 =	vmov s24;
	v3 =	vld.idx.msk [tilespmem:v7+s14+$0x0], $0xffff;
	[tilespmem:s21+$0xFFFFFF40] =	vst v5;
	v7 =	vor.u32 v1, v34  }
0xe9: {  	s11 =	sadd.s32 $0x8, s24;
	s12 =	sadd.s32 $0xB, s24;
	s9 =	sadd.s32 $0x6, s24;
	v39 =	vor.u32 v1, v14;
	v22 =	vand.u32 $0x70, v4;
	v4 =	vld.idx.msk [tilespmem:v12+s14+$0x0], $0xffff;
	[tilespmem:s21+$0xFFFFFF60] =	vst v6;
	v12 =	vor.u32 v0, v30  }
0xea: {  	s22 =	sadd.s32 $0x200, s22;
	v31 =	vmov s1;
	s1 =	sadd.s32 $0xA, s24;
	v24 =	vmov s0;
	s0 =	sadd.s32 $0x9, s24;
	v5 =	vld.idx.msk [tilespmem:v16+s14+$0x0], $0xffff;
	[tilespmem:s21+$0xFFFFFF80] =	vst v9;
	v16 =	vor.u32 v1, v23  }
0xeb: {  	s15 =	sor.u32 $0x70, s22;
	v34 =	vmov s7;
	s7 =	sadd.s32 $0xD, s24;
	v23 =	vmov s6;
	s6 =	sadd.s32 $0xC, s24;
	v6 =	vld.idx.msk [tilespmem:v19+s14+$0x0], $0xffff;
	[tilespmem:s21+$0xFFFFFFA0] =	vst v15;
	v19 =	vor.u32 v1, v17  }
0xec: {  	s17 =	sadd.s32 $0xFFFFFEC0, s22;
	v36 =	vmov s9;
	s9 =	sadd.s32 $0xFFFFFE60, s22;
	v35 =	vmov s8;
	s8 =	sadd.s32 $0xFFFFFE40, s22;
	v9 =	vld.idx.msk [tilespmem:v20+s14+$0x0], $0xffff;
	[tilespmem:s21+$0xFFFFFFC0] =	vst v21;
	v20 =	vor.u32 v1, v18  }
0xed: {  	s18 =	sadd.s32 $0xFFFFFEE0, s22;
	v40 =	vor.u32 v1, v13;
	v13 =	vmov s12;
	s12 =	sadd.s32 $0xFFFFFF80, s22;
	v17 =	vmov s11;
	s11 =	sadd.s32 $0xFFFFFE80, s22;
	v15 =	vld.idx.msk [tilespmem:v7+s14+$0x0], $0xffff;
	[tilespmem:s15+$0x3000] =	vst v8  }
0xee: {  	v14 =	vmov s1;
	s25 =	sadd.s32 $0xFFFFFF60, s22;
	v18 =	vmov s0;
	s0 =	sadd.s32 $0xFFFFFF00, s22;
	s15 =	sadd.s32 $0xFFFFFF40, s22;
	[tilespmem:s21+$0xFFFFFFE0] =	vst v11;
	v41 =	vld.idx.msk [tilespmem:v12+s14+$0x0], $0xffff  }
0xef: {  	s31 =	sadd.s32 $0xFFFFFFE0, s22;
	v37 =	vor.u32 v1, v37;
	s28 =	sor.u32 $0x70, s12;
	s26 =	sadd.s32 $0xFFFFFFC0, s22;
	v8 =	vmov s6;
	v21 =	vld.idx.msk [tilespmem:v16+s14+$0x0], $0xffff;
	[tilespmem:s21+$0x0] =	vst v25  }
0xf0: {  	v42 =	vor.u32 v1, v32;
	s9 =	sor.u32 $0x50, s9;
	s10 =	sor.u32 $0x30, s8;
	v11 =	vmov s7;
	s7 =	sor.u32 $0x70, s11;
	v16 =	vbroadcast v22, $0x0;
	v22 =	vld.idx.msk [tilespmem:v19+s14+$0x0], $0xffff;
	[tilespmem:s21+$0x20] =	vst v26  }
0xf1: {  	s1 =	sor.u32 $0x50, s18;
	v43 =	vor.u32 v1, v30;
	v7 =	vand.u32 $0x71, v24;
	s6 =	sor.u32 $0x30, s17;
	s0 =	sor.u32 $0x70, s0;
	v12 =	vand.u32 $0x72, v31;
	v24 =	vld.idx.msk [tilespmem:v20+s14+$0x0], $0xffff;
	[tilespmem:s21+$0x40] =	vst v27  }
.Ltmp7:
0xf2: {  	s30 =	sor.u32 $0x50, s25;
	v30 =	vor.u32 v1, v2;
	v7 =	vbroadcast v7, $0x0;
	s29 =	sor.u32 $0x30, s15;
	v19 =	vand.u32 $0x73, v23;
	v25 =	vld.idx.msk [tilespmem:v39+s14+$0x0], $0xffff;
	[tilespmem:s21+$0x60] =	vst v28;
	(pc) =	sbr.rel @p2 .LBB2_8-.Ltmp7, $4  }
0xf3: {  	s26 =	sor.u32 $0x30, s26;
	s25 =	sor.u32 $0x50, s31;
	v12 =	vbroadcast v12, $0x0;
	v23 =	vor.u32 v0, v16;
	v20 =	vand.u32 $0x74, v34;
	v2 =	vmovc v16;
	v26 =	vld.idx.msk [tilespmem:v40+s14+$0x0], $0xffff;
	[tilespmem:s21+$0x80] =	vst v29  }
0xf4: {  	v31 =	vor.u32 v0, v7;
	v16 =	vbroadcast v19, $0x0;
	v29 =	vand.u32 $0x75, v35;
	v27 =	vld.idx.msk [tilespmem:v37+s14+$0x0], $0xffff;
	[tilespmem:s21+$0xA0] =	vst v33  }
0xf5: {  	v32 =	vor.u32 v0, v12;
	v34 =	vand.u32 $0x76, v36;
	v19 =	vbroadcast v20, $0x0;
	v28 =	vld.idx.msk [tilespmem:v42+s14+$0x0], $0xffff;
	[tilespmem:s21+$0xC0] =	vst v41  }
0xf6: {  	s8 =	sadd.s32 $0xF, s23;
	s24 =	sadd.s32 $0x10, s24;
	v35 =	vand.u32 $0x77, v38;
	v33 =	vor.u32 v0, v16;
	v20 =	vbroadcast v29, $0x0;
	[tilespmem:s21+$0xFFFFFF00] =	vst v10;
	v29 =	vld.idx.msk [tilespmem:v43+s14+$0x0], $0xffff  }
0xf7: {  	[tilespmem:s10+$0x3000] =	vst v3  }
0xf8: {  	[tilespmem:s9+$0x3000] =	vst v4  }
0xf9: {  	[tilespmem:s7+$0x3000] =	vst v5  }
0xfa: {  	[tilespmem:s21+$0xFFFFFF90] =	vst v6  }
0xfb: {  	[tilespmem:s6+$0x3000] =	vst v9  }
0xfc: {  	[tilespmem:s1+$0x3000] =	vst v15  }
0xfd: {  	v3 =	vmov s8;
	[tilespmem:s0+$0x3000] =	vst v21  }
0xfe: {  	[tilespmem:s21+$0x10] =	vst v22;
	v47 =	vor.u32 v0, v19;
	v3 =	vand.u32 $0x7F, v3  }
0xff: {  	[tilespmem:s29+$0x3000] =	vst v24;
	v55 =	vld.idx.msk [tilespmem:v33+s14+$0x0], $0xffff;
	v10 =	vor.u32 v0, v20;
	v3 =	vbroadcast v3, $0x0  }
0x100: {  	v48 =	vbroadcast v34, $0x0;
	v49 =	vld.idx.msk [tilespmem:v30+s14+$0x0], $0xffff;
	[tilespmem:s30+$0x3000] =	vst v25;
	v42 =	vor.u32 v1, v16  }
0x101: {  	v50 =	vbroadcast v35, $0x0;
	v17 =	vand.u32 $0x78, v17;
	v51 =	vld.idx.msk [tilespmem:v31+s14+$0x0], $0xffff;
	[tilespmem:s28+$0x3000] =	vst v26;
	v46 =	vor.u32 v0, v3  }
0x102: {  	v18 =	vand.u32 $0x79, v18;
	v53 =	vld.idx.msk [tilespmem:v32+s14+$0x0], $0xffff;
	v17 =	vbroadcast v17, $0x0;
	v52 =	vor.u32 v0, v48;
	[tilespmem:s21+$0x90] =	vst v27  }
0x103: {  	v14 =	vand.u32 $0x7A, v14;
	s0 =	sadd.s32 $0x200, s21;
	v18 =	vbroadcast v18, $0x0;
	v54 =	vor.u32 v0, v50;
	[tilespmem:s26+$0x3000] =	vst v28;
	v5 =	vld.idx.msk [tilespmem:v47+s14+$0x0], $0xffff  }
0x104: {  	v14 =	vbroadcast v14, $0x0;
	v56 =	vor.u32 v0, v17;
	[tilespmem:s0+$0xFFFFFF60] =	vst v55;
	v58 =	vld.idx.msk [tilespmem:v10+s14+$0x0], $0xffff  }
0x105: {  	v13 =	vand.u32 $0x7B, v13;
	v57 =	vor.u32 v0, v18;
	[tilespmem:s21+$0xFFFFFF10] =	vst v49;
	v49 =	vld.idx.msk [tilespmem:v42+s14+$0x0], $0xffff  }
0x106: {  	v8 =	vand.u32 $0x7C, v8;
	v59 =	vbroadcast v13, $0x0;
	v60 =	vor.u32 v0, v14;
	[tilespmem:s25+$0x3000] =	vst v29;
	v4 =	vld.idx.msk [tilespmem:v46+s14+$0x0], $0xffff  }
0x107: {  	s30 =	sadd.s32 $0xE, s23;
	v11 =	vand.u32 $0x7D, v11;
	v8 =	vbroadcast v8, $0x0;
	v3 =	vor.u32 v1, v3;
	[tilespmem:s0+$0xFFFFFF20] =	vst v51;
	v61 =	vld.idx.msk [tilespmem:v52+s14+$0x0], $0xffff  }
0x108: {  	v62 =	vmov s30;
	v11 =	vbroadcast v11, $0x0;
	v63 =	vor.u32 v0, v59;
	[tilespmem:s0+$0xFFFFFF40] =	vst v53;
	v32 =	vld.idx.msk [tilespmem:v54+s14+$0x0], $0xffff  }
0x109: {  	s31 =	sadd.s32 $0x200, s22;
	v22 =	vand.u32 $0x7E, v62;
	v33 =	vor.u32 v0, v8;
	v34 =	vld.idx.msk [tilespmem:v56+s14+$0x0], $0xffff;
	[tilespmem:s0+$0xFFFFFF80] =	vst v5  }
0x10a: {  	s11 =	sadd.s32 $0xFFFFFE80, s31;
	v22 =	vbroadcast v22, $0x0;
	v35 =	vor.u32 v0, v11;
	v36 =	vld.idx.msk [tilespmem:v57+s14+$0x0], $0xffff;
	[tilespmem:s0+$0xFFFFFFA0] =	vst v58  }
0x10b: {  	s12 =	sor.u32 $0x70, s11;
	v38 =	vld.idx.msk [tilespmem:v60+s14+$0x0], $0xffff;
	[tilespmem:s0+$0xE0] =	vst v4  }
0x10c: {  	v37 =	vor.u32 v0, v22;
	[tilespmem:s12+$0x3000] =	vst v49;
	v3 =	vld.idx.msk [tilespmem:v3+s14+$0x0], $0xffff  }
0x10d: {  	v44 =	vor.u32 v1, v19;
	v40 =	vld.idx.msk [tilespmem:v63+s14+$0x0], $0xffff;
	[tilespmem:s0+$0xFFFFFFC0] =	vst v61  }
0x10e: {  	v6 =	vor.u32 v1, v48;
	v41 =	vld.idx.msk [tilespmem:v33+s14+$0x0], $0xffff;
	[tilespmem:s0+$0xFFFFFFE0] =	vst v32  }
0x10f: {  	v48 =	vor.u32 v1, v50;
	v43 =	vld.idx.msk [tilespmem:v35+s14+$0x0], $0xffff;
	[tilespmem:s0+$0x0] =	vst v34  }
0x110: {  	v39 =	vor.u32 v1, v7;
	s8 =	sor.u32 $0x70, s31;
	v46 =	vld.idx.msk [tilespmem:v23+s14+$0x0], $0xffff;
	[tilespmem:s0+$0x20] =	vst v36  }
0x111: {  	v45 =	vld.idx.msk [tilespmem:v37+s14+$0x0], $0xffff;
	[tilespmem:s8+$0x3000] =	vst v3;
	v3 =	vor.u32 v1, v12  }
0x112: {  	v55 =	vor.u32 v1, v59;
	v51 =	vld.idx.msk [tilespmem:v44+s14+$0x0], $0xffff;
	[tilespmem:s0+$0x40] =	vst v38  }
0x113: {  	v57 =	vor.u32 v1, v8;
	[tilespmem:s0+$0x60] =	vst v40;
	v54 =	vld.idx.msk [tilespmem:v6+s14+$0x0], $0xffff  }
0x114: {  	[tilespmem:s0+$0x80] =	vst v41;
	v56 =	vld.idx.msk [tilespmem:v48+s14+$0x0], $0xffff  }
0x115: {  	v2 =	vor.u32 v1, v2;
	[tilespmem:s0+$0xA0] =	vst v43;
	v4 =	vld.idx.msk [tilespmem:v39+s14+$0x0], $0xffff  }
0x116: {  	v50 =	vor.u32 v1, v17;
	[tilespmem:s0+$0xFFFFFF00] =	vst v46;
	v3 =	vld.idx.msk [tilespmem:v3+s14+$0x0], $0xffff  }
0x117: {  	s18 =	sadd.s32 $0xFFFFFF00, s31;
	v52 =	vor.u32 v1, v18;
	v6 =	vld.idx.msk [tilespmem:v55+s14+$0x0], $0xffff;
	[tilespmem:s0+$0xC0] =	vst v45  }
0x118: {  	s9 =	sadd.s32 $0xFFFFFE40, s31;
	s21 =	sor.u32 $0x70, s18;
	v58 =	vor.u32 v1, v11;
	v62 =	vld.idx.msk [tilespmem:v57+s14+$0x0], $0xffff;
	[tilespmem:s0+$0xFFFFFF90] =	vst v51  }
0x119: {  	s10 =	sadd.s32 $0xFFFFFE60, s31;
	s6 =	sor.u32 $0x30, s9;
	v47 =	vor.u32 v1, v20;
	[tilespmem:s21+$0x3000] =	vst v56  }
0x11a: {  	s24 =	sadd.s32 $0xFFFFFF80, s31;
	s7 =	sor.u32 $0x50, s10;
	v14 =	vor.u32 v1, v14;
	v2 =	vld.idx.msk [tilespmem:v2+s14+$0x0], $0xffff;
	[tilespmem:s6+$0x3000] =	vst v4  }
0x11b: {  	s25 =	sor.u32 $0x70, s24;
	v60 =	vor.u32 v1, v22;
	[tilespmem:s7+$0x3000] =	vst v3;
	v3 =	vld.idx.msk [tilespmem:v50+s14+$0x0], $0xffff  }
0x11c: {  	s17 =	sadd.s32 $0xFFFFFEE0, s31;
	v59 =	vld.idx.msk [tilespmem:v52+s14+$0x0], $0xffff;
	[tilespmem:s25+$0x3000] =	vst v6  }
0x11d: {  	v63 =	vld.idx.msk [tilespmem:v58+s14+$0x0], $0xffff;
	s6 =	sor.u32 $0x50, s17;
	[tilespmem:s0+$0x90] =	vst v62  }
0x11e: {  	v53 =	vld.idx.msk [tilespmem:v47+s14+$0x0], $0xffff;
	[tilespmem:s6+$0x3000] =	vst v54  }
0x11f: {  	s22 =	sadd.s32 $0xFFFFFF40, s31;
	v61 =	vld.idx.msk [tilespmem:v14+s14+$0x0], $0xffff;
	[tilespmem:s0+$0xFFFFFF10] =	vst v2  }
0x120: {  	s26 =	sadd.s32 $0xFFFFFFC0, s31;
	s6 =	sor.u32 $0x30, s22;
	[tilespmem:s0+$0x10] =	vst v3;
	v3 =	vld.idx.msk [tilespmem:v60+s14+$0x0], $0xffff  }
0x121: {  	s15 =	sadd.s32 $0xFFFFFEC0, s31;
	s28 =	sor.u32 $0x30, s26;
	[tilespmem:s6+$0x3000] =	vst v59  }
.Ltmp8:
0x122: {  	s23 =	sadd.s32 $0xFFFFFF60, s31;
	[tilespmem:s28+$0x3000] =	vst v63;
	s7 =	sor.u32 $0x30, s15;
	(pc) =	sbr.rel .LBB2_10-.Ltmp8, $4  }
0x123: {  	s1 =	sadd.s32 $0xFFFFFFE0, s31;
	[tilespmem:s7+$0x3000] =	vst v53;
	s7 =	sor.u32 $0x50, s23  }
0x124: {  	s29 =	sshll.u32 s20, $0xE;
	s1 =	sor.u32 $0x50, s1;
	[tilespmem:s7+$0x3000] =	vst v61  }
0x125: {  	s30 =	sadd.s32 s29, s5;
	s31 =	simm.s32 $0x3000;
	[tilespmem:s1+$0x3000] =	vst v3  }
0x126: {  	[hbm4b:s30+s2] =	stream.linear.scatter [tilespmem:s31], [sflag:$0x4], $0x1000, $0x38;
	[tilespmem:$0x5000] =	vst v63  }
.LBB2_11:
.Ltmp9:
0x127: {  	(pc) =	sbr.rel @p1 .LBB2_15-.Ltmp9, $4  }
0x128: {  	s0 =	simm.s32 @!p0 $0x3  }
0x129: {  	_ =	swait.ge @!p0 [sflag:s0], $0x1000  }
0x12a: {  	[sflag:s0] =	ssyncset.done @!p0 $0x0  }
0x12b: {  	s1 =	rddreg [dreg:$0x6];
	[sflag:s0] =	ssyncadd.s32 @!p0 $0xFFFFF000  }
0x12c: {  	s0 =	simm.s32 $0x0;
	s17 =	simm.s32 $0x1  }
0x12d: {  	s1 =	simm.s32 $0x2;
	s6 =	simm.s32 $0x3;
	s7 =	simm.s32 $0x4;
	v2 =	vmov s0;
	v3 =	vmov s17  }
0x12e: {  	s8 =	simm.s32 $0x5;
	s9 =	simm.s32 $0x6;
	s18 =	simm.s32 $0x7;
	v4 =	vmov s1;
	v5 =	vmov s6;
	v6 =	vmov s7  }
0x12f: {  	s19 =	simm.s32 $0x8;
	s20 =	simm.s32 $0x9;
	s21 =	simm.s32 $0xA;
	v7 =	vmov s8;
	v8 =	vmov s9;
	v9 =	vmov s18  }
0x130: {  	s22 =	simm.s32 $0xB;
	s23 =	simm.s32 $0xC;
	v11 =	vmov s19;
	v13 =	vmov s20;
	v14 =	vmov s21  }
0x131: {  	s31 =	simm.s32 $0xF;
	v15 =	vmov s22;
	v16 =	vmov s23;
	v2 =	vand.u32 $0x70, v2  }
0x132: {  	v21 =	vmov s31;
	v3 =	vand.u32 $0x71, v3;
	v12 =	vbroadcast v2, $0x0  }
0x133: {  	s25 =	rddreg [dreg:$0x3];
	v4 =	vand.u32 $0x72, v4;
	v5 =	vand.u32 $0x73, v5;
	v3 =	vbroadcast v3, $0x0  }
0x134: {  	s26 =	simm.s32 $0x400;
	s29 =	simm.s32 $0x7A1400;
	s30 =	simm.s32 $0x5;
	v6 =	vand.u32 $0x74, v6;
	v4 =	vbroadcast v4, $0x0;
	v10 =	vor.u32 v0, v12  }
0x135: {  	[tilespmem:s16], [sflag:$0x5] =	stream.strided.gather [hbm4b:s25+s26], $0x1000, s29, s26, $0x38;
	v7 =	vand.u32 $0x75, v7;
	v5 =	vbroadcast v5, $0x0;
	v17 =	vor.u32 v0, v3;
	[tilespmem:$0x5000] =	vst v63  }
0x136: {  	_ =	swait.ge [sflag:s30], $0x1000;
	v8 =	vand.u32 $0x76, v8;
	v6 =	vbroadcast v6, $0x0;
	v18 =	vor.u32 v0, v4  }
0x137: {  	v9 =	vand.u32 $0x77, v9;
	[sflag:s30] =	ssyncset.done $0x0;
	v7 =	vbroadcast v7, $0x0;
	v19 =	vor.u32 v0, v5  }
0x138: {  	v21 =	vand.u32 $0x7F, v21;
	v8 =	vbroadcast v8, $0x0;
	[sflag:s30] =	ssyncadd.s32 $0xFFFFF000;
	v20 =	vor.u32 v0, v6  }
0x139: {  	v11 =	vand.u32 $0x78, v11;
	v9 =	vbroadcast v9, $0x0;
	v22 =	vor.u32 v0, v7;
	v10 =	vld.idx.msk [tilespmem:v10+s16+$0x0], $0xffff  }
0x13a: {  	v13 =	vand.u32 $0x79, v13;
	v21 =	vbroadcast v21, $0x0;
	v23 =	vor.u32 v0, v8;
	v17 =	vld.idx.msk [tilespmem:v17+s16+$0x0], $0xffff  }
0x13b: {  	s24 =	simm.s32 $0xD;
	v15 =	vand.u32 $0x7B, v15;
	v11 =	vbroadcast v11, $0x0;
	v24 =	vor.u32 v0, v9;
	v18 =	vld.idx.msk [tilespmem:v18+s16+$0x0], $0xffff  }
0x13c: {  	v2 =	vmov s24;
	v13 =	vbroadcast v13, $0x0;
	v25 =	vor.u32 v0, v21;
	v19 =	vld.idx.msk [tilespmem:v19+s16+$0x0], $0xffff  }
0x13d: {  	v28 =	vbroadcast v15, $0x0;
	v15 =	vand.u32 $0x7C, v16;
	v26 =	vor.u32 v0, v11;
	v20 =	vld.idx.msk [tilespmem:v20+s16+$0x0], $0xffff  }
0x13e: {  	v29 =	vbroadcast v15, $0x0;
	v2 =	vand.u32 $0x7D, v2;
	v27 =	vor.u32 v0, v13;
	v22 =	vld.idx.msk [tilespmem:v22+s16+$0x0], $0xffff  }
0x13f: {  	v14 =	vand.u32 $0x7A, v14;
	v15 =	vor.u32 v0, v28;
	v30 =	vbroadcast v2, $0x0;
	v16 =	vld.idx.msk [tilespmem:v23+s16+$0x0], $0xffff  }
0x140: {  	v14 =	vbroadcast v14, $0x0;
	v2 =	vor.u32 v0, v29;
	v24 =	vld.idx.msk [tilespmem:v24+s16+$0x0], $0xffff  }
0x141: {  	v31 =	vor.u32 v0, v30;
	v25 =	vld.idx.msk [tilespmem:v25+s16+$0x0], $0xffff  }
0x142: {  	v23 =	vor.u32 v0, v14;
	v26 =	vld.idx.msk [tilespmem:v26+s16+$0x0], $0xffff  }
0x143: {  	v21 =	vor.u32 v1, v21;
	v27 =	vld.idx.msk [tilespmem:v27+s16+$0x0], $0xffff  }
0x144: {  	v3 =	vor.u32 v1, v3;
	v32 =	vld.idx.msk [tilespmem:v15+s16+$0x0], $0xffff  }
0x145: {  	s1 =	simm.s32 $0xE;
	s19 =	simm.s32 $0x2100;
	v4 =	vor.u32 v1, v4;
	v33 =	vld.idx.msk [tilespmem:v2+s16+$0x0], $0xffff  }
0x146: {  	v5 =	vor.u32 v1, v5;
	v2 =	vmov s1;
	v34 =	vld.idx.msk [tilespmem:v31+s16+$0x0], $0xffff;
	[tilespmem:s19+$0xE0] =	vst v25  }
0x147: {  	v6 =	vor.u32 v1, v6;
	v2 =	vand.u32 $0x7E, v2;
	v23 =	vld.idx.msk [tilespmem:v23+s16+$0x0], $0xffff;
	[tilespmem:s19+$0xFFFFFF20] =	vst v17  }
0x148: {  	v7 =	vor.u32 v1, v7;
	v25 =	vbroadcast v2, $0x0;
	[tilespmem:s19+$0xFFFFFF40] =	vst v18;
	v2 =	vld.idx.msk [tilespmem:v21+s16+$0x0], $0xffff  }
0x149: {  	s10 =	simm.s32 $0x15;
	s11 =	simm.s32 $0x16;
	v8 =	vor.u32 v1, v8;
	[tilespmem:s19+$0xFFFFFF60] =	vst v19;
	v3 =	vld.idx.msk [tilespmem:v3+s16+$0x0], $0xffff  }
0x14a: {  	s12 =	simm.s32 $0x17;
	s6 =	simm.s32 $0x11;
	v39 =	vmov s10;
	v40 =	vmov s11;
	[tilespmem:s19+$0xFFFFFF80] =	vst v20;
	v20 =	vor.u32 v1, v9;
	v4 =	vld.idx.msk [tilespmem:v4+s16+$0x0], $0xffff  }
0x14b: {  	s7 =	simm.s32 $0x12;
	s8 =	simm.s32 $0x13;
	v41 =	vmov s12;
	v35 =	vmov s6;
	[tilespmem:s19+$0xFFFFFFA0] =	vst v22;
	v22 =	vor.u32 v1, v11;
	v5 =	vld.idx.msk [tilespmem:v5+s16+$0x0], $0xffff  }
0x14c: {  	s21 =	simm.s32 $0x10;
	s9 =	simm.s32 $0x14;
	v36 =	vmov s7;
	v37 =	vmov s8;
	v6 =	vld.idx.msk [tilespmem:v6+s16+$0x0], $0xffff;
	v19 =	vor.u32 v0, v25  }
0x14d: {  	s15 =	simm.s32 $0x18;
	s20 =	simm.s32 $0x1E0;
	v38 =	vmov s9;
	v15 =	vmov s21;
	[tilespmem:s19+$0xFFFFFFC0] =	vst v16;
	v9 =	vld.idx.msk [tilespmem:v7+s16+$0x0], $0xffff;
	v7 =	vor.u32 v1, v13  }
0x14e: {  	s18 =	simm.s32 $0x19;
	s22 =	simm.s32 $0x1A;
	s23 =	simm.s32 $0x1B;
	v63 =	vand.u32 $0x75, v39;
	v28 =	vor.u32 v1, v28;
	v31 =	vand.u32 $0x70, v15;
	[tilespmem:s19+$0xFFFFFFE0] =	vst v24;
	v15 =	vld.idx.msk [tilespmem:v8+s16+$0x0], $0xffff  }
0x14f: {  	s25 =	simm.s32 $0x1D;
	s26 =	simm.s32 $0x20;
	s11 =	simm.s32 $0x60;
	v61 =	vand.u32 $0x73, v37;
	v62 =	vand.u32 $0x74, v38;
	v16 =	vor.u32 v1, v14;
	[tilespmem:s19+$0x0] =	vst v26;
	v21 =	vld.idx.msk [tilespmem:v20+s16+$0x0], $0xffff  }
0x150: {  	s31 =	simm.s32 $0xA0;
	s12 =	simm.s32 $0xC0;
	s29 =	simm.s32 $0x1C0;
	v17 =	vmov s15;
	v18 =	vmov s18;
	[tilespmem:s19+$0x20] =	vst v27;
	v22 =	vld.idx.msk [tilespmem:v22+s16+$0x0], $0xffff;
	v20 =	vor.u32 v1, v30  }
0x151: {  	s17 =	sor.u32 $0x70, s20;
	s10 =	sor.u32 $0x30, s26;
	s7 =	sor.u32 $0x70, s11;
	v14 =	vmov s22;
	v11 =	vmov s25;
	[tilespmem:s19+$0x60] =	vst v32;
	v42 =	vld.idx.msk [tilespmem:v19+s16+$0x0], $0xffff;
	v19 =	vor.u32 v1, v29  }
0x152: {  	s6 =	sor.u32 $0x30, s31;
	s8 =	simm.s32 $0x1F;
	s30 =	simm.s32 $0x40;
	v26 =	vand.u32 $0x71, v35;
	[tilespmem:s17+$0x2000] =	vst v2;
	v2 =	vbroadcast v31, $0x0;
	v24 =	vld.idx.msk [tilespmem:v7+s16+$0x0], $0xffff;
	v29 =	vor.u32 v1, v25  }
0x153: {  	s24 =	simm.s32 $0x1C;
	s9 =	sor.u32 $0x50, s30;
	s1 =	sor.u32 $0x50, s12;
	v27 =	vand.u32 $0x72, v36;
	[tilespmem:s19+$0x40] =	vst v23;
	v30 =	vor.u32 v1, v12;
	v7 =	vbroadcast v26, $0x0;
	v26 =	vld.idx.msk [tilespmem:v28+s16+$0x0], $0xffff  }
0x154: {  	s15 =	simm.s32 $0xE0;
	s18 =	simm.s32 $0x140;
	s22 =	simm.s32 $0x160;
	v35 =	vand.u32 $0x77, v41;
	[tilespmem:s19+$0xA0] =	vst v34;
	v12 =	vbroadcast v27, $0x0;
	v25 =	vld.idx.msk [tilespmem:v16+s16+$0x0], $0xffff;
	v23 =	vor.u32 v0, v2  }
0x155: {  	v13 =	vmov s23;
	s23 =	simm.s32 $0x1A0;
	[tilespmem:s19+$0x80] =	vst v33;
	s0 =	sor.u32 $0x70, s15;
	s28 =	sor.u32 $0x50, s18;
	v16 =	vbroadcast v61, $0x0;
	v31 =	vor.u32 v0, v7;
	v28 =	vld.idx.msk [tilespmem:v20+s16+$0x0], $0xffff  }
0x156: {  	v8 =	vmov s24;
	s25 =	sor.u32 $0x70, s22;
	s22 =	simm.s32 $0x20;
	s17 =	simm.s32 $0x120;
	v32 =	vor.u32 v0, v12;
	v27 =	vld.idx.msk [tilespmem:v19+s16+$0x0], $0xffff;
	v19 =	vbroadcast v62, $0x0;
	[tilespmem:s19+$0xC0] =	vst v42  }
0x157: {  	[tilespmem:s19+$0xFFFFFF00] =	vst v10;
	s24 =	sor.u32 $0x30, s23;
	v34 =	vand.u32 $0x76, v40;
	s23 =	sor.u32 $0x50, s29;
	s26 =	sor.u32 $0x30, s17;
	v33 =	vor.u32 v0, v16;
	v20 =	vbroadcast v63, $0x0;
	v29 =	vld.idx.msk [tilespmem:v29+s16+$0x0], $0xffff  }
.LBB2_13:
0x158: {  	p2 =	slt.u32 s22, $0x30;
	v36 =	vor.u32 v0, v19;
	v34 =	vbroadcast v34, $0x0;
	v37 =	vmov s8;
	v30 =	vld.idx.msk [tilespmem:v30+s16+$0x0], $0xffff;
	[tilespmem:s10+$0x2000] =	vst v3  }
0x159: {  	v10 =	vld.idx.msk [tilespmem:v23+s16+$0x0], $0xffff;
	v3 =	vor.u32 v0, v20;
	v23 =	vbroadcast v35, $0x0;
	v35 =	vand.u32 $0x7F, v37;
	[tilespmem:s9+$0x2000] =	vst v4  }
0x15a: {  	v17 =	vand.u32 $0x78, v17;
	v4 =	vld.idx.msk [tilespmem:v31+s16+$0x0], $0xffff;
	v31 =	vor.u32 v0, v34;
	v35 =	vbroadcast v35, $0x0;
	[tilespmem:s7+$0x2000] =	vst v5  }
0x15b: {  	v18 =	vand.u32 $0x79, v18;
	v17 =	vbroadcast v17, $0x0;
	v5 =	vld.idx.msk [tilespmem:v32+s16+$0x0], $0xffff;
	v32 =	vor.u32 v0, v23;
	[tilespmem:s19+$0xFFFFFF90] =	vst v6  }
0x15c: {  	v14 =	vand.u32 $0x7A, v14;
	v18 =	vbroadcast v18, $0x0;
	v6 =	vld.idx.msk [tilespmem:v33+s16+$0x0], $0xffff;
	v33 =	vor.u32 v0, v35;
	[tilespmem:s6+$0x2000] =	vst v9  }
0x15d: {  	v13 =	vand.u32 $0x7B, v13;
	v14 =	vbroadcast v14, $0x0;
	v9 =	vld.idx.msk [tilespmem:v36+s16+$0x0], $0xffff;
	v36 =	vor.u32 v0, v17;
	[tilespmem:s1+$0x2000] =	vst v15  }
0x15e: {  	v8 =	vand.u32 $0x7C, v8;
	v13 =	vbroadcast v13, $0x0;
	v15 =	vld.idx.msk [tilespmem:v3+s16+$0x0], $0xffff;
	v3 =	vor.u32 v0, v18;
	[tilespmem:s0+$0x2000] =	vst v21  }
0x15f: {  	v37 =	vbroadcast v8, $0x0;
	v8 =	vand.u32 $0x7D, v11;
	v21 =	vld.idx.msk [tilespmem:v31+s16+$0x0], $0xffff;
	v31 =	vor.u32 v0, v14;
	[tilespmem:s19+$0x10] =	vst v22  }
0x160: {  	v22 =	vor.u32 v0, v13;
	v11 =	vld.idx.msk [tilespmem:v32+s16+$0x0], $0xffff;
	v32 =	vbroadcast v8, $0x0;
	[tilespmem:s26+$0x2000] =	vst v24  }
0x161: {  	v8 =	vor.u32 v0, v37;
	v24 =	vld.idx.msk [tilespmem:v33+s16+$0x0], $0xffff;
	[tilespmem:s28+$0x2000] =	vst v25  }
0x162: {  	v25 =	vld.idx.msk [tilespmem:v36+s16+$0x0], $0xffff;
	v33 =	vor.u32 v0, v32;
	[tilespmem:s25+$0x2000] =	vst v26  }
0x163: {  	v26 =	vld.idx.msk [tilespmem:v3+s16+$0x0], $0xffff;
	v3 =	vor.u32 v1, v35;
	[tilespmem:s19+$0x90] =	vst v27  }
0x164: {  	v7 =	vor.u32 v1, v7;
	v27 =	vld.idx.msk [tilespmem:v31+s16+$0x0], $0xffff;
	[tilespmem:s24+$0x2000] =	vst v28  }
0x165: {  	v12 =	vor.u32 v1, v12;
	s0 =	sadd.s32 $0xE, s21;
	s21 =	smov.u32 s22;
	v28 =	vld.idx.msk [tilespmem:v22+s16+$0x0], $0xffff;
	[tilespmem:s23+$0x2000] =	vst v29  }
0x166: {  	v16 =	vor.u32 v1, v16;
	v29 =	vld.idx.msk [tilespmem:v8+s16+$0x0], $0xffff;
	v8 =	vmov s0;
	[tilespmem:s19+$0xFFFFFF10] =	vst v30;
	s19 =	sadd.s32 $0x200, s19  }
0x167: {  	v19 =	vor.u32 v1, v19;
	v33 =	vld.idx.msk [tilespmem:v33+s16+$0x0], $0xffff;
	v8 =	vand.u32 $0x7E, v8;
	[tilespmem:s19+$0xE0] =	vst v24  }
0x168: {  	s10 =	sadd.s32 $0x7, s22;
	v20 =	vor.u32 v1, v20;
	s1 =	sadd.s32 $0x2, s22;
	s0 =	sadd.s32 $0x1, s22;
	[tilespmem:s19+$0xFFFFFF20] =	vst v4;
	v30 =	vbroadcast v8, $0x0;
	v8 =	vld.idx.msk [tilespmem:v3+s16+$0x0], $0xffff  }
0x169: {  	s8 =	sadd.s32 $0x5, s22;
	v38 =	vmov s10;
	s7 =	sadd.s32 $0x4, s22;
	s6 =	sadd.s32 $0x3, s22;
	v4 =	vmov s22;
	v3 =	vld.idx.msk [tilespmem:v7+s16+$0x0], $0xffff;
	[tilespmem:s19+$0xFFFFFF40] =	vst v5;
	v7 =	vor.u32 v1, v34  }
0x16a: {  	s11 =	sadd.s32 $0x8, s22;
	s12 =	sadd.s32 $0xB, s22;
	s9 =	sadd.s32 $0x6, s22;
	v39 =	vor.u32 v1, v14;
	v22 =	vand.u32 $0x70, v4;
	v4 =	vld.idx.msk [tilespmem:v12+s16+$0x0], $0xffff;
	[tilespmem:s19+$0xFFFFFF60] =	vst v6;
	v12 =	vor.u32 v0, v30  }
0x16b: {  	s20 =	sadd.s32 $0x200, s20;
	v31 =	vmov s1;
	s1 =	sadd.s32 $0xA, s22;
	v24 =	vmov s0;
	s0 =	sadd.s32 $0x9, s22;
	v5 =	vld.idx.msk [tilespmem:v16+s16+$0x0], $0xffff;
	[tilespmem:s19+$0xFFFFFF80] =	vst v9;
	v16 =	vor.u32 v1, v23  }
0x16c: {  	s15 =	sor.u32 $0x70, s20;
	v34 =	vmov s7;
	s7 =	sadd.s32 $0xD, s22;
	v23 =	vmov s6;
	s6 =	sadd.s32 $0xC, s22;
	v6 =	vld.idx.msk [tilespmem:v19+s16+$0x0], $0xffff;
	[tilespmem:s19+$0xFFFFFFA0] =	vst v15;
	v19 =	vor.u32 v1, v17  }
0x16d: {  	s17 =	sadd.s32 $0xFFFFFEC0, s20;
	v36 =	vmov s9;
	s9 =	sadd.s32 $0xFFFFFE60, s20;
	v35 =	vmov s8;
	s8 =	sadd.s32 $0xFFFFFE40, s20;
	v9 =	vld.idx.msk [tilespmem:v20+s16+$0x0], $0xffff;
	[tilespmem:s19+$0xFFFFFFC0] =	vst v21;
	v20 =	vor.u32 v1, v18  }
0x16e: {  	s18 =	sadd.s32 $0xFFFFFEE0, s20;
	v40 =	vor.u32 v1, v13;
	v13 =	vmov s12;
	s12 =	sadd.s32 $0xFFFFFF80, s20;
	v17 =	vmov s11;
	s11 =	sadd.s32 $0xFFFFFE80, s20;
	v15 =	vld.idx.msk [tilespmem:v7+s16+$0x0], $0xffff;
	[tilespmem:s15+$0x2000] =	vst v8  }
0x16f: {  	v14 =	vmov s1;
	s23 =	sadd.s32 $0xFFFFFF60, s20;
	v18 =	vmov s0;
	s0 =	sadd.s32 $0xFFFFFF00, s20;
	s15 =	sadd.s32 $0xFFFFFF40, s20;
	[tilespmem:s19+$0xFFFFFFE0] =	vst v11;
	v41 =	vld.idx.msk [tilespmem:v12+s16+$0x0], $0xffff  }
0x170: {  	s29 =	sadd.s32 $0xFFFFFFE0, s20;
	v37 =	vor.u32 v1, v37;
	s25 =	sor.u32 $0x70, s12;
	s24 =	sadd.s32 $0xFFFFFFC0, s20;
	v8 =	vmov s6;
	v21 =	vld.idx.msk [tilespmem:v16+s16+$0x0], $0xffff;
	[tilespmem:s19+$0x0] =	vst v25  }
0x171: {  	v42 =	vor.u32 v1, v32;
	s9 =	sor.u32 $0x50, s9;
	s10 =	sor.u32 $0x30, s8;
	v11 =	vmov s7;
	s7 =	sor.u32 $0x70, s11;
	v16 =	vbroadcast v22, $0x0;
	v22 =	vld.idx.msk [tilespmem:v19+s16+$0x0], $0xffff;
	[tilespmem:s19+$0x20] =	vst v26  }
0x172: {  	s1 =	sor.u32 $0x50, s18;
	v43 =	vor.u32 v1, v30;
	v7 =	vand.u32 $0x71, v24;
	s6 =	sor.u32 $0x30, s17;
	s0 =	sor.u32 $0x70, s0;
	v12 =	vand.u32 $0x72, v31;
	v24 =	vld.idx.msk [tilespmem:v20+s16+$0x0], $0xffff;
	[tilespmem:s19+$0x40] =	vst v27  }
.Ltmp10:
0x173: {  	s28 =	sor.u32 $0x50, s23;
	v30 =	vor.u32 v1, v2;
	v7 =	vbroadcast v7, $0x0;
	s26 =	sor.u32 $0x30, s15;
	v19 =	vand.u32 $0x73, v23;
	v25 =	vld.idx.msk [tilespmem:v39+s16+$0x0], $0xffff;
	[tilespmem:s19+$0x60] =	vst v28;
	(pc) =	sbr.rel @p2 .LBB2_13-.Ltmp10, $4  }
0x174: {  	s24 =	sor.u32 $0x30, s24;
	s23 =	sor.u32 $0x50, s29;
	v12 =	vbroadcast v12, $0x0;
	v23 =	vor.u32 v0, v16;
	v20 =	vand.u32 $0x74, v34;
	v2 =	vmovc v16;
	v26 =	vld.idx.msk [tilespmem:v40+s16+$0x0], $0xffff;
	[tilespmem:s19+$0x80] =	vst v29  }
0x175: {  	v31 =	vor.u32 v0, v7;
	v16 =	vbroadcast v19, $0x0;
	v29 =	vand.u32 $0x75, v35;
	v27 =	vld.idx.msk [tilespmem:v37+s16+$0x0], $0xffff;
	[tilespmem:s19+$0xA0] =	vst v33  }
0x176: {  	v32 =	vor.u32 v0, v12;
	v34 =	vand.u32 $0x76, v36;
	v19 =	vbroadcast v20, $0x0;
	v28 =	vld.idx.msk [tilespmem:v42+s16+$0x0], $0xffff;
	[tilespmem:s19+$0xC0] =	vst v41  }
0x177: {  	s8 =	sadd.s32 $0xF, s21;
	s22 =	sadd.s32 $0x10, s22;
	v35 =	vand.u32 $0x77, v38;
	v33 =	vor.u32 v0, v16;
	v20 =	vbroadcast v29, $0x0;
	[tilespmem:s19+$0xFFFFFF00] =	vst v10;
	v29 =	vld.idx.msk [tilespmem:v43+s16+$0x0], $0xffff  }
0x178: {  	[tilespmem:s10+$0x2000] =	vst v3  }
0x179: {  	[tilespmem:s9+$0x2000] =	vst v4  }
0x17a: {  	[tilespmem:s7+$0x2000] =	vst v5  }
0x17b: {  	[tilespmem:s19+$0xFFFFFF90] =	vst v6  }
0x17c: {  	[tilespmem:s6+$0x2000] =	vst v9  }
0x17d: {  	[tilespmem:s1+$0x2000] =	vst v15  }
0x17e: {  	v3 =	vmov s8;
	[tilespmem:s0+$0x2000] =	vst v21  }
0x17f: {  	[tilespmem:s19+$0x10] =	vst v22;
	v47 =	vor.u32 v0, v19;
	v3 =	vand.u32 $0x7F, v3  }
0x180: {  	[tilespmem:s26+$0x2000] =	vst v24;
	v55 =	vld.idx.msk [tilespmem:v33+s16+$0x0], $0xffff;
	v10 =	vor.u32 v0, v20;
	v3 =	vbroadcast v3, $0x0  }
0x181: {  	v48 =	vbroadcast v34, $0x0;
	v49 =	vld.idx.msk [tilespmem:v30+s16+$0x0], $0xffff;
	[tilespmem:s28+$0x2000] =	vst v25;
	v42 =	vor.u32 v1, v16  }
0x182: {  	v50 =	vbroadcast v35, $0x0;
	v17 =	vand.u32 $0x78, v17;
	v51 =	vld.idx.msk [tilespmem:v31+s16+$0x0], $0xffff;
	[tilespmem:s25+$0x2000] =	vst v26;
	v46 =	vor.u32 v0, v3  }
0x183: {  	v18 =	vand.u32 $0x79, v18;
	v53 =	vld.idx.msk [tilespmem:v32+s16+$0x0], $0xffff;
	v17 =	vbroadcast v17, $0x0;
	v52 =	vor.u32 v0, v48;
	[tilespmem:s19+$0x90] =	vst v27  }
0x184: {  	v14 =	vand.u32 $0x7A, v14;
	s31 =	sadd.s32 $0x200, s19;
	v18 =	vbroadcast v18, $0x0;
	v54 =	vor.u32 v0, v50;
	[tilespmem:s24+$0x2000] =	vst v28;
	v5 =	vld.idx.msk [tilespmem:v47+s16+$0x0], $0xffff  }
0x185: {  	v14 =	vbroadcast v14, $0x0;
	v56 =	vor.u32 v0, v17;
	[tilespmem:s31+$0xFFFFFF60] =	vst v55;
	v58 =	vld.idx.msk [tilespmem:v10+s16+$0x0], $0xffff  }
0x186: {  	v13 =	vand.u32 $0x7B, v13;
	v57 =	vor.u32 v0, v18;
	[tilespmem:s19+$0xFFFFFF10] =	vst v49;
	v49 =	vld.idx.msk [tilespmem:v42+s16+$0x0], $0xffff  }
0x187: {  	v8 =	vand.u32 $0x7C, v8;
	v59 =	vbroadcast v13, $0x0;
	v60 =	vor.u32 v0, v14;
	[tilespmem:s23+$0x2000] =	vst v29;
	v4 =	vld.idx.msk [tilespmem:v46+s16+$0x0], $0xffff  }
0x188: {  	s9 =	sadd.s32 $0xE, s21;
	v11 =	vand.u32 $0x7D, v11;
	v8 =	vbroadcast v8, $0x0;
	v3 =	vor.u32 v1, v3;
	[tilespmem:s31+$0xFFFFFF20] =	vst v51;
	v61 =	vld.idx.msk [tilespmem:v52+s16+$0x0], $0xffff  }
0x189: {  	v62 =	vmov s9;
	v11 =	vbroadcast v11, $0x0;
	v63 =	vor.u32 v0, v59;
	[tilespmem:s31+$0xFFFFFF40] =	vst v53;
	v32 =	vld.idx.msk [tilespmem:v54+s16+$0x0], $0xffff  }
0x18a: {  	s10 =	sadd.s32 $0x200, s20;
	v22 =	vand.u32 $0x7E, v62;
	v33 =	vor.u32 v0, v8;
	v34 =	vld.idx.msk [tilespmem:v56+s16+$0x0], $0xffff;
	[tilespmem:s31+$0xFFFFFF80] =	vst v5  }
0x18b: {  	s17 =	sadd.s32 $0xFFFFFE80, s10;
	v22 =	vbroadcast v22, $0x0;
	v35 =	vor.u32 v0, v11;
	v36 =	vld.idx.msk [tilespmem:v57+s16+$0x0], $0xffff;
	[tilespmem:s31+$0xFFFFFFA0] =	vst v58  }
0x18c: {  	s18 =	sor.u32 $0x70, s17;
	v38 =	vld.idx.msk [tilespmem:v60+s16+$0x0], $0xffff;
	[tilespmem:s31+$0xE0] =	vst v4  }
0x18d: {  	v37 =	vor.u32 v0, v22;
	[tilespmem:s18+$0x2000] =	vst v49;
	v3 =	vld.idx.msk [tilespmem:v3+s16+$0x0], $0xffff  }
0x18e: {  	v44 =	vor.u32 v1, v19;
	v40 =	vld.idx.msk [tilespmem:v63+s16+$0x0], $0xffff;
	[tilespmem:s31+$0xFFFFFFC0] =	vst v61  }
0x18f: {  	v6 =	vor.u32 v1, v48;
	v41 =	vld.idx.msk [tilespmem:v33+s16+$0x0], $0xffff;
	[tilespmem:s31+$0xFFFFFFE0] =	vst v32  }
0x190: {  	v48 =	vor.u32 v1, v50;
	v43 =	vld.idx.msk [tilespmem:v35+s16+$0x0], $0xffff;
	[tilespmem:s31+$0x0] =	vst v34  }
0x191: {  	v39 =	vor.u32 v1, v7;
	s11 =	sor.u32 $0x70, s10;
	v46 =	vld.idx.msk [tilespmem:v23+s16+$0x0], $0xffff;
	[tilespmem:s31+$0x20] =	vst v36  }
0x192: {  	v45 =	vld.idx.msk [tilespmem:v37+s16+$0x0], $0xffff;
	[tilespmem:s11+$0x2000] =	vst v3;
	v3 =	vor.u32 v1, v12  }
0x193: {  	v55 =	vor.u32 v1, v59;
	v51 =	vld.idx.msk [tilespmem:v44+s16+$0x0], $0xffff;
	[tilespmem:s31+$0x40] =	vst v38  }
0x194: {  	v57 =	vor.u32 v1, v8;
	[tilespmem:s31+$0x60] =	vst v40;
	v54 =	vld.idx.msk [tilespmem:v6+s16+$0x0], $0xffff  }
0x195: {  	[tilespmem:s31+$0x80] =	vst v41;
	v56 =	vld.idx.msk [tilespmem:v48+s16+$0x0], $0xffff  }
0x196: {  	v2 =	vor.u32 v1, v2;
	[tilespmem:s31+$0xA0] =	vst v43;
	v4 =	vld.idx.msk [tilespmem:v39+s16+$0x0], $0xffff  }
0x197: {  	v50 =	vor.u32 v1, v17;
	[tilespmem:s31+$0xFFFFFF00] =	vst v46;
	v3 =	vld.idx.msk [tilespmem:v3+s16+$0x0], $0xffff  }
0x198: {  	s21 =	sadd.s32 $0xFFFFFF00, s10;
	v52 =	vor.u32 v1, v18;
	v6 =	vld.idx.msk [tilespmem:v55+s16+$0x0], $0xffff;
	[tilespmem:s31+$0xC0] =	vst v45  }
0x199: {  	s12 =	sadd.s32 $0xFFFFFE40, s10;
	s22 =	sor.u32 $0x70, s21;
	v58 =	vor.u32 v1, v11;
	v62 =	vld.idx.msk [tilespmem:v57+s16+$0x0], $0xffff;
	[tilespmem:s31+$0xFFFFFF90] =	vst v51  }
0x19a: {  	s15 =	sadd.s32 $0xFFFFFE60, s10;
	s6 =	sor.u32 $0x30, s12;
	v47 =	vor.u32 v1, v20;
	[tilespmem:s22+$0x2000] =	vst v56  }
0x19b: {  	s25 =	sadd.s32 $0xFFFFFF80, s10;
	s7 =	sor.u32 $0x50, s15;
	v14 =	vor.u32 v1, v14;
	v2 =	vld.idx.msk [tilespmem:v2+s16+$0x0], $0xffff;
	[tilespmem:s6+$0x2000] =	vst v4  }
0x19c: {  	s26 =	sor.u32 $0x70, s25;
	v60 =	vor.u32 v1, v22;
	[tilespmem:s7+$0x2000] =	vst v3;
	v3 =	vld.idx.msk [tilespmem:v50+s16+$0x0], $0xffff  }
0x19d: {  	s20 =	sadd.s32 $0xFFFFFEE0, s10;
	v59 =	vld.idx.msk [tilespmem:v52+s16+$0x0], $0xffff;
	[tilespmem:s26+$0x2000] =	vst v6  }
0x19e: {  	v63 =	vld.idx.msk [tilespmem:v58+s16+$0x0], $0xffff;
	s6 =	sor.u32 $0x50, s20;
	[tilespmem:s31+$0x90] =	vst v62  }
0x19f: {  	v53 =	vld.idx.msk [tilespmem:v47+s16+$0x0], $0xffff;
	[tilespmem:s6+$0x2000] =	vst v54  }
0x1a0: {  	s23 =	sadd.s32 $0xFFFFFF40, s10;
	v61 =	vld.idx.msk [tilespmem:v14+s16+$0x0], $0xffff;
	[tilespmem:s31+$0xFFFFFF10] =	vst v2  }
0x1a1: {  	s28 =	sadd.s32 $0xFFFFFFC0, s10;
	s6 =	sor.u32 $0x30, s23;
	[tilespmem:s31+$0x10] =	vst v3;
	v3 =	vld.idx.msk [tilespmem:v60+s16+$0x0], $0xffff  }
0x1a2: {  	s29 =	sor.u32 $0x30, s28;
	s19 =	sadd.s32 $0xFFFFFEC0, s10;
	[tilespmem:s6+$0x2000] =	vst v59  }
0x1a3: {  	s24 =	sadd.s32 $0xFFFFFF60, s10;
	[tilespmem:s29+$0x2000] =	vst v63;
	s7 =	sor.u32 $0x30, s19  }
0x1a4: {  	s1 =	sadd.s32 $0xFFFFFFE0, s10;
	[tilespmem:s7+$0x2000] =	vst v53;
	s7 =	sor.u32 $0x50, s24  }
0x1a5: {  	s1 =	sor.u32 $0x50, s1;
	[tilespmem:s7+$0x2000] =	vst v61  }
0x1a6: {  	s30 =	simm.s32 $0x2000;
	[tilespmem:s1+$0x2000] =	vst v3  }
.Ltmp11:
0x1a7: {  	s31 =	simm.s32 $0x5;
	s0 =	rddreg [dreg:$0x4];
	(pc) =	sbr.rel .LBB2_15-.Ltmp11, $4  }
0x1a8: {  	[hbm4b:s0+s2] =	stream.linear.scatter [tilespmem:s30], [sflag:$0x5], $0x800, $0x38;
	[tilespmem:$0x5000] =	vst v63  }
0x1a9: {  	_ =	swait.ge [sflag:s31], $0x800  }
0x1aa: {  	[sflag:s31] =	ssyncset.done $0x0  }
0x1ab: {  	s1 =	rddreg [dreg:$0x6];
	[sflag:s31] =	ssyncadd.s32 $0xFFFFF800  }
.LBB2_16:
0x1ac: {  	_ =	sfence.sel $0x180000  }
0x1ad: {  	[bflag:$0x0] =	sbarrier.arrive $0xFFFF  }
0x1ae: {  	_ =	strace $0x90000047  }
0x1af: {  	s0 =	stileid.u32;
	[bflag:$0x2] =	sbarrier.arrive $0xFFFF  }
0x1b0: {  	p0 =	sne.s32 s0, $0x0;
	s0 =	rddreg [dreg:$0x2]  }
0x1b1: {  	s0 =	sadd.s32 @!p0 $0x100000, s0  }
0x1b2: {  	[sflag:s0] =	ssyncadd.tile.s32 @!p0 $0x1;
	_ =	shalt  }
.Lfunc_end2:
_tile_overlayer_lowered:
.L_overlay_start_2:
0x1b3: {  	(tag) =	ssettag $0x2  }
0x1b4: {  	s0 =	rddreg [dreg:$0x0];
	s2 =	stileid.u32  }
0x1b5: {  	s1 =	rddreg [dreg:$0x1];
	p0 =	sne.s32 s2, $0x0  }
0x1b6: {  	s3 =	rddreg [dreg:$0x2];
	[bflag:$0x3] =	sbarrier.arrive $0xFFFF;
	s2 =	simm.s32 @!p0 $0x1C05  }
0x1b7: {  	[timem:s3], [sflag:s2] =	dma.local @!p0 [hbm:s0], s1  }
0x1b8: {  	s0 =	simm.s32 @!p0 $0x5  }
0x1b9: {  	_ =	swait.ge @!p0 [sflag:s0], s1  }
0x1ba: {  	s1 =	ssub.s32 @!p0 $0x0, s1;
	[sflag:s0] =	ssyncset.done @!p0 $0x0  }
0x1bb: {  	[sflag:s0] =	ssyncadd.s32 @!p0 s1  }
0x1bc: {  	[bflag:$0x3] =	sbarrier.arrive $0xFFFF  }
0x1bd: {  	_ =	shalt  }

// kernel: kernel.8.cloned.1.call-start
scs
__scs_entry_jumppad:
0x0: {  	(pc) =	sbr.rel $0x88, $3  }
0x1: {  	(tag) =	ssettag $0x0;
	lr =	simm.s32 $0x1  }
0x2: {  	[smem:$0x3F9E] =	sst lr;
	_ =	strace $0xD0000000  }
0x3: {  	_ = 	snop  }
0x4: {  	_ = 	snop  }
0x5: {  	_ = 	snop  }
0x6: {  	_ = 	snop  }
0x7: {  	_ = 	snop  }
__scs_overlays_trampoline_lowered:
0x8: {  	[smem:$0x3FAD] =	sst s0  }
0x9: {  	[smem:$0x3FAE] =	sst s1  }
0xa: {  	[smem:$0x3FAF] =	sst s2  }
0xb: {  	[smem:$0x3FB0] =	sst s3  }
0xc: {  	[smem:$0x3FB1] =	sst s4  }
0xd: {  	[smem:$0x3FB2] =	sst s5  }
0xe: {  	[smem:$0x3FB3] =	sst s6  }
0xf: {  	[smem:$0x3FB4] =	sst s7  }
0x10: {  	[smem:$0x3FB5] =	sst s8  }
0x11: {  	[smem:$0x3FB6] =	sst s9;
	s0 =	simm.s32 @!p0 $0x0  }
0x12: {  	s1 =	sld [smem:$0x3F9C];
	s0 =	simm.s32 @p0 $0x1  }
0x13: {  	[smem:$0x3FB7] =	sst s0;
	s0 =	simm.s32 @!p1 $0x0  }
0x14: {  	s2 =	sld [smem:$0x3F9B];
	s0 =	simm.s32 @p1 $0x1  }
0x15: {  	[smem:$0x3FB8] =	sst s0;
	s0 =	simm.s32 @!p2 $0x0  }
0x16: {  	s3 =	sld [smem:$0x3FDB];
	s0 =	simm.s32 @p2 $0x1  }
0x17: {  	s4 =	simm.s32 $0x1BF5;
	[smem:$0x3FBA] =	sst s0  }
0x18: {  	s0 =	sld [smem:$0x3F9D];
	_ =	swait.ge [sflag:s4], $0x0  }
0x19: {  	s7 =	sld [smem:$0x3F9E]  }
0x1a: {  	s8 =	sadd.s32 $0xFFFFE003, lr  }
0x1b: {  	s9 =	sadd.s32 $0xFFFFFEF7, lr;
	s5 =	simm.s32 $0xFFFFFFFF;
	p2 =	slt.u32 s8, $0xFFFFF086  }
0x1c: {  	p1 =	slt.u32 s9, $0xF7A;
	s5 =	simm.s32 @!p2 $0x0  }
0x1d: {  	s5 =	simm.s32 @p1 $0x1;
	p0 =	seq.s32 s7, s2  }
0x1e: {  	s7 =	smul.u32 @!p0 $0xF7A, s2;
	p2 =	seq.s32 @!p0 s5, $0x0  }
0x1f: {  	s9 =	smul.u32 $0xF7A, s1;
	s8 =	simm.s32 @!p0 $0x1BF5;
	p2 =	por !p2, p0  }
0x20: {  	[sflag:s8] =	ssyncset.s32 @!p0 $0xFFFFF086;
	s6 =	sadd.s32 @!p0 s3, s7;
	s7 =	simm.s32 @!p0 $0x108  }
0x21: {  	s3 =	sadd.s32 s3, s9;
	s6 =	sadd.s32 @!p0 $0x88, s6;
	s7 =	simm.s32 @p2 $0x1082  }
0x22: {  	[simem:s7], [sflag:s8] =	dma.local @!p0 [hbm:s6], $0xF7A  }
0x23: {  	s9 =	sor.u32 $0xD0000000, s2;
	s6 =	simm.s32 $0x108;
	_ =	swait.ge @!p0 [sflag:s8], $0x0  }
0x24: {  	s3 =	sadd.s32 $0x88, s3;
	s6 =	simm.s32 @!p1 $0x1082;
	[sflag:s4] =	ssyncset.s32 $0xFFFFF086  }
0x25: {  	[simem:s6], [sflag:s4] =	dma.local [hbm:s3], $0xF7A  }
0x26: {  	[smem:$0x3F9E] =	sst s1;
	(tag) =	ssettag s2;
	_ =	strace s9  }
0x27: {  	s1 =	sld [smem:$0x3FAE]  }
0x28: {  	s2 =	sld [smem:$0x3FAF]  }
0x29: {  	s4 =	sld [smem:$0x3FB1]  }
0x2a: {  	p0 =	seq.s32 s5, $0x0;
	s5 =	sld [smem:$0x3FB2]  }
0x2b: {  	s6 =	sld [smem:$0x3FB3]  }
0x2c: {  	s7 =	sld [smem:$0x3FB4]  }
0x2d: {  	s3 =	simm.s32 $0x108;
	s8 =	sld [smem:$0x3FB5]  }
0x2e: {  	s3 =	simm.s32 @!p0 $0x1082;
	s9 =	sld [smem:$0x3FB6]  }
0x2f: {  	lr =	sadd.s32 s0, s3;
	s0 =	sld [smem:$0x3FAD]  }
0x30: {  	s3 =	sld [smem:$0x3FB0]  }
0x31: {  	[smem:$0x3FB9] =	sst s10  }
0x32: {  	s10 =	sld [smem:$0x3FB7];
	_ =	sdelay $0x3  }
0x33: {  	p0 =	seq.s32 s10, $0x1;
	s10 =	sld [smem:$0x3FB9];
	_ =	sdelay $0x3  }
0x34: {  	[smem:$0x3FB9] =	sst s10  }
0x35: {  	s10 =	sld [smem:$0x3FB8];
	_ =	sdelay $0x3  }
0x36: {  	p1 =	seq.s32 s10, $0x1;
	s10 =	sld [smem:$0x3FB9];
	_ =	sdelay $0x3  }
0x37: {  	[smem:$0x3FB9] =	sst s10  }
0x38: {  	s10 =	sld [smem:$0x3FBA]  }
0x39: {  	_ = 	snop;
	(pc) =	sbr.ind lr, $3  }
0x3a: {  	_ = 	snop  }
0x3b: {  	_ = 	snop  }
0x3c: {  	p2 =	seq.s32 s10, $0x1;
	s10 =	sld [smem:$0x3FB9]  }
0x3d: {  	_ =	shalt  }
0x3e: {  	_ =	shalt  }
0x3f: {  	_ =	shalt  }
0x40: {  	_ =	shalt  }
0x41: {  	_ =	shalt  }
0x42: {  	_ =	shalt  }
0x43: {  	_ =	shalt  }
0x44: {  	_ =	shalt  }
0x45: {  	_ =	shalt  }
0x46: {  	_ =	shalt  }
0x47: {  	_ =	shalt  }
0x48: {  	_ =	shalt  }
0x49: {  	_ =	shalt  }
0x4a: {  	_ =	shalt  }
0x4b: {  	_ =	shalt  }
0x4c: {  	_ =	shalt  }
0x4d: {  	_ =	shalt  }
0x4e: {  	_ =	shalt  }
0x4f: {  	_ =	shalt  }
0x50: {  	_ =	shalt  }
0x51: {  	_ =	shalt  }
0x52: {  	_ =	shalt  }
0x53: {  	_ =	shalt  }
0x54: {  	_ =	shalt  }
0x55: {  	_ =	shalt  }
0x56: {  	_ =	shalt  }
0x57: {  	_ =	shalt  }
0x58: {  	_ =	shalt  }
0x59: {  	_ =	shalt  }
0x5a: {  	_ =	shalt  }
0x5b: {  	_ =	shalt  }
0x5c: {  	_ =	shalt  }
0x5d: {  	_ =	shalt  }
0x5e: {  	_ =	shalt  }
0x5f: {  	_ =	shalt  }
0x60: {  	_ =	shalt  }
0x61: {  	_ =	shalt  }
0x62: {  	_ =	shalt  }
0x63: {  	_ =	shalt  }
0x64: {  	_ =	shalt  }
0x65: {  	_ =	shalt  }
0x66: {  	_ =	shalt  }
0x67: {  	_ =	shalt  }
0x68: {  	_ =	shalt  }
0x69: {  	_ =	shalt  }
0x6a: {  	_ =	shalt  }
0x6b: {  	_ =	shalt  }
0x6c: {  	_ =	shalt  }
0x6d: {  	_ =	shalt  }
0x6e: {  	_ =	shalt  }
0x6f: {  	_ =	shalt  }
0x70: {  	_ =	shalt  }
0x71: {  	_ =	shalt  }
0x72: {  	_ =	shalt  }
0x73: {  	_ =	shalt  }
0x74: {  	_ =	shalt  }
0x75: {  	_ =	shalt  }
0x76: {  	_ =	shalt  }
0x77: {  	_ =	shalt  }
0x78: {  	_ =	shalt  }
0x79: {  	_ =	shalt  }
0x7a: {  	_ =	shalt  }
0x7b: {  	_ =	shalt  }
0x7c: {  	_ =	shalt  }
0x7d: {  	_ =	shalt  }
0x7e: {  	_ =	shalt  }
0x7f: {  	_ =	shalt  }
0x80: {  	_ =	shalt  }
0x81: {  	_ =	shalt  }
0x82: {  	_ =	shalt  }
0x83: {  	_ =	shalt  }
0x84: {  	_ =	shalt  }
0x85: {  	_ =	shalt  }
0x86: {  	_ =	shalt  }
0x87: {  	_ =	shalt  }
.Lfunc_end0:
.L_simem_size_0:
called_computation.1_lowered:
.L_overlay_start_0:
0x88: {  	s2 =	sld [smem:$0x3FD9]  }
0x89: {  	s3 =	sld [smem:$0x3FFE];
	_ =	sdelay $0x1  }
0x8a: {  	s1 =	srdreg.scid  }
0x8b: {  	s0 =	sand.u32 $0x1, s1  }
0x8c: {  	s17 =	sshll.u32 s0, $0xA;
	s2 =	sadd.s32 s3, s2  }
0x8d: {  	s2 =	sadd.s32 s2, s17  }
0x8e: {  	[smem:$0x3FC5] =	sst s2  }
0x8f: {  	_ = 	snop  }
0x90: {  	s2 =	sld [smem:$0x3FD0];
	(tm) =	ssettm $0x1  }
0x91: {  	s18 =	sld [smem:$0x3FFB];
	_ =	sdelay $0x3  }
0x92: {  	_ =	strace s18  }
0x93: {  	s3 =	sld [smem:$0x3FFC];
	_ =	sdelay $0x3  }
0x94: {  	_ =	strace s3  }
0x95: {  	s3 =	sld [smem:$0x3FFD];
	_ =	sdelay $0x3  }
0x96: {  	_ =	strace s3  }
0x97: {  	_ =	strace $0x8FFFFFFF  }
0x98: {  	s19 =	sld [smem:$0x3FDB];
	_ =	sdelay $0x1  }
0x99: {  	s4 =	simm.s32 $_scs_section_size  }
0x9a: {  	s5 =	simm.s32 $_size__tile_overlayer_lowered;
	s6 =	simm.s32 $_tile_overlayer_lowered  }
0x9b: {  	s22 =	simm.s32 $0x1BFF;
	s21 =	sshll.u32 s6, $0x1;
	s3 =	sadd.s32 s4, s19  }
0x9c: {  	s7 =	simm.s32 $0x0;
	s20 =	sshll.u32 s5, $0x1;
	s5 =	sadd.s32 s21, s3  }
0x9d: {  	[timem:s7], [sflag:s22] =	dma.local [hbm:s5], s20  }
0x9e: {  	_ =	swait.ge [sflag:s22], s20  }
0x9f: {  	s4 =	ssub.s32 $0x0, s20;
	[sflag:s22] =	ssyncset.done $0x0  }
0xa0: {  	[sflag:s22] =	ssyncadd.s32 s4;
	_ =	sdelay $0x1  }
0xa1: {  	s23 =	simm.s32 $0x1B8B  }
0xa2: {  	_ =	swait.ge [sflag:s23], $0x1  }
0xa3: {  	[sflag:s23] =	ssyncset.done $0x0  }
0xa4: {  	s25 =	simm.s32 $0x1B8E;
	s24 =	sld [smem:$0x3FFE];
	[sflag:s23] =	ssyncadd.s32 $0xFFFFFFFF  }
0xa5: {  	s26 =	simm.s32 $execute0_lowered;
	[smem:$0x3FD2] =	sst s25  }
0xa6: {  	s5 =	sshll.u32 s26, $0x1;
	_ =	strace $0x80000049;
	[dreg:$0x1] =	wrdreg $0xFFFFFFFF  }
0xa7: {  	s28 =	simm.s32 $_size_execute0_lowered;
	s3 =	sadd.s32 s3, s5;
	[dreg:$0x0] =	wrdreg $0x0  }
0xa8: {  	s5 =	sshll.u32 s28, $0x1;
	[dreg:$0x2] =	wrdreg s3  }
0xa9: {  	[dreg:$0x3] =	wrdreg s5  }
0xaa: {  	[dreg:$0x4] =	wrdreg $0xC0  }
0xab: {  	_ =	task [dreg:s7], $0x5FFFF  }
0xac: {  	[dreg:$0x1] =	wrdreg $0xFFFFFFFF  }
0xad: {  	[dreg:$0x0] =	wrdreg $0x60  }
0xae: {  	[dreg:$0x2] =	wrdreg s24  }
0xaf: {  	[dreg:$0x3] =	wrdreg s2  }
0xb0: {  	[dreg:$0x4] =	wrdreg $0x9  }
0xb1: {  	_ =	task.clear_ibuf [dreg:s7], $0x5FFFF;
	_ =	strace $0x90000049  }
0xb2: {  	s29 =	simm.s32 $0x9;
	_ =	strace $0x8000004B  }
0xb3: {  	_ =	swait.ge [sflag:s29], $0x1  }
0xb4: {  	[sflag:s29] =	ssyncadd.s32 $0xFFFFFFFF  }
0xb5: {  	_ =	strace $0x9000004B  }
0xb6: {  	_ =	sfence  }
0xb7: {  	s30 =	sld [smem:$0x0];
	_ =	sdelay $0x2  }
0xb8: {  	s31 =	sshll.u32 s1, $0xD;
	s1 =	sshrl.u32 s1, $0x2  }
0xb9: {  	s3 =	sand.u32 $0x4000, s31;
	s1 =	sadd.s32 s1, s30  }
0xba: {  	s0 =	sor.u32 s3, s0;
	s1 =	sshll.u32 s1, $0x11  }
0xbb: {  	s0 =	sor.u32 s1, s0  }
0xbc: {  	s0 =	sadd.s32 $0x8F2B, s0  }
0xbd: {  	[sflag:s0] =	ssyncadd.remote.s32 $0x1  }
0xbe: {  	_ =	sfence.sel $0xFFFF  }
0xbf: {  	[dreg:$0x0] =	wrdreg $0xFFFFFFFF;
	(pc) =	sbr.abs _section_cstart, $3  }
0xc0: {  	[dreg:$0x1] =	wrdreg $0xFFFFFFFF  }
0xc1: {  	_ =	task.clear_ibuf [dreg:s7], $0x2FFFF;
	_ =	strace $0x9FFFFFFF  }
0xc2: {  	(tm) =	ssettm $0x7FFFFFFF  }
0xc3: {  	_ =	shalt  }
tec
execute0_lowered:
.L_overlay_start_1:
0x0: {  	(tag) =	ssettag $0x1  }
0x1: {  	s1 =	srdreg.scid;
	s0 =	stileid.u32  }
0x2: {  	s14 =	sand.u32 $0x1, s1;
	s26 =	sshll.u32 s0, $0x1  }
0x3: {  	s8 =	rddreg [dreg:$0x0];
	s9 =	sor.u32 s14, s26  }
0x4: {  	s13 =	rddreg [dreg:$0x1];
	s15 =	smul.u32 $0x1900, s9  }
0x5: {  	s2 =	simm.s32 $0x0;
	s1 =	rddreg [dreg:$0x2]  }
0x6: {  	[smem:$0x7FF] =	sst s2;
	s3 =	sshrl.u32 s15, $0x3  }
0x7: {  	_ =	strace $0x8000004A;
	s4 =	sadd.s32 s13, s3;
	s3 =	simm.s32 $0x2  }
0x8: {  	[tilespmem:s2], [sflag:$0x2] =	stream.linear.gather [hbm4b:s4+s2], $0x640, $0x38;
	[tilespmem:$0xCE40] =	vst v63  }
0x9: {  	_ =	swait.ge [sflag:s3], $0x640  }
0xa: {  	s6 =	simm.s32 $0x640;
	[sflag:s3] =	ssyncset.done $0x0  }
0xb: {  	s7 =	simm.s32 $0x1;
	s5 =	sadd.s32 $0xC00, s8;
	[sflag:s3] =	ssyncadd.s32 $0xFFFFF9C0  }
0xc: {  	[tilespmem:s6], [sflag:$0x1] =	stream.indirect.gather [hbm4b:s5+s6], $0x20, s2, s6, $0xb8;
	[tilespmem:$0xCE40] =	vst v63  }
0xd: {  	s9 =	smul.u32 $0x6400, s9;
	_ =	swait.ge [sflag:s7], $0xC800  }
0xe: {  	s16 =	sadd.s32 $0x3D1600, s8;
	[sflag:s7] =	ssyncset.done $0x0  }
0xf: {  	s8 =	sadd.s32 s16, s9;
	[sflag:s7] =	ssyncadd.s32 $0xFFFF3800  }
0x10: {  	[hbm4b:s8+s2] =	stream.linear.scatter [tilespmem:s6], [sflag:$0x2], $0xC800, $0x38;
	[tilespmem:$0xCE40] =	vst v63  }
0x11: {  	s10 =	sadd.s32 $0x640, s15;
	_ =	swait.ge [sflag:s3], $0xC800  }
0x12: {  	s28 =	sshrl.u32 s10, $0x3;
	[sflag:s3] =	ssyncset.done $0x0  }
0x13: {  	s9 =	sadd.s32 s13, s28;
	[sflag:s3] =	ssyncadd.s32 $0xFFFF3800  }
0x14: {  	[tilespmem:s2], [sflag:$0x2] =	stream.linear.gather [hbm4b:s9+s2], $0x640, $0x38;
	[tilespmem:$0xCE40] =	vst v63  }
0x15: {  	_ =	swait.ge [sflag:s3], $0x640  }
0x16: {  	[sflag:s3] =	ssyncset.done $0x0  }
0x17: {  	[sflag:s3] =	ssyncadd.s32 $0xFFFFF9C0  }
0x18: {  	[tilespmem:s6], [sflag:$0x1] =	stream.indirect.gather [hbm4b:s5+s6], $0x20, s2, s6, $0xb8;
	[tilespmem:$0xCE40] =	vst v63  }
0x19: {  	_ =	swait.ge [sflag:s7], $0xC800  }
0x1a: {  	s10 =	sshll.u32 s10, $0x2;
	[sflag:s7] =	ssyncset.done $0x0  }
0x1b: {  	s10 =	sadd.s32 s16, s10;
	[sflag:s7] =	ssyncadd.s32 $0xFFFF3800  }
0x1c: {  	[hbm4b:s10+s2] =	stream.linear.scatter [tilespmem:s6], [sflag:$0x2], $0xC800, $0x38;
	[tilespmem:$0xCE40] =	vst v63  }
0x1d: {  	s12 =	sadd.s32 $0xC80, s15;
	_ =	swait.ge [sflag:s3], $0xC800  }
0x1e: {  	s11 =	sshrl.u32 s12, $0x3;
	[sflag:s3] =	ssyncset.done $0x0  }
0x1f: {  	s11 =	sadd.s32 s13, s11;
	[sflag:s3] =	ssyncadd.s32 $0xFFFF3800  }
0x20: {  	[tilespmem:s2], [sflag:$0x2] =	stream.linear.gather [hbm4b:s11+s2], $0x640, $0x38;
	[tilespmem:$0xCE40] =	vst v63  }
0x21: {  	_ =	swait.ge [sflag:s3], $0x640  }
0x22: {  	[sflag:s3] =	ssyncset.done $0x0  }
0x23: {  	[sflag:s3] =	ssyncadd.s32 $0xFFFFF9C0  }
0x24: {  	[tilespmem:s6], [sflag:$0x1] =	stream.indirect.gather [hbm4b:s5+s6], $0x20, s2, s6, $0xb8;
	[tilespmem:$0xCE40] =	vst v63  }
0x25: {  	_ =	swait.ge [sflag:s7], $0xC800  }
0x26: {  	s12 =	sshll.u32 s12, $0x2;
	[sflag:s7] =	ssyncset.done $0x0  }
0x27: {  	s12 =	sadd.s32 s16, s12;
	[sflag:s7] =	ssyncadd.s32 $0xFFFF3800  }
0x28: {  	[hbm4b:s12+s2] =	stream.linear.scatter [tilespmem:s6], [sflag:$0x2], $0xC800, $0x38;
	[tilespmem:$0xCE40] =	vst v63  }
0x29: {  	s15 =	sadd.s32 $0x12C0, s15;
	_ =	swait.ge [sflag:s3], $0xC800  }
0x2a: {  	s17 =	sshrl.u32 s15, $0x3;
	[sflag:s3] =	ssyncset.done $0x0  }
0x2b: {  	s14 =	ssub.s32 $0x2, s14;
	s13 =	sadd.s32 s13, s17;
	[sflag:s3] =	ssyncadd.s32 $0xFFFF3800  }
0x2c: {  	[tilespmem:s2], [sflag:$0x2] =	stream.linear.gather [hbm4b:s13+s2], $0x640, $0x38;
	[tilespmem:$0xCE40] =	vst v63  }
0x2d: {  	s29 =	sshrl.u32 s14, $0x1;
	_ =	swait.ge [sflag:s3], $0x640  }
0x2e: {  	s17 =	ssub.s32 s14, s29;
	[sflag:s3] =	ssyncset.done $0x0  }
0x2f: {  	s31 =	smax.u32 s17, $0x1;
	[sflag:s3] =	ssyncadd.s32 $0xFFFFF9C0  }
0x30: {  	[tilespmem:s6], [sflag:$0x1] =	stream.indirect.gather [hbm4b:s5+s6], $0x20, s2, s6, $0xb8;
	[tilespmem:$0xCE40] =	vst v63  }
0x31: {  	p0 =	sne.s32 s31, $0x1;
	_ =	swait.ge [sflag:s7], $0xC800  }
.Ltmp0:
0x32: {  	s30 =	sshll.u32 s15, $0x2;
	[sflag:s7] =	ssyncset.done $0x0;
	(pc) =	sbr.rel @!p0 .LBB2_2-.Ltmp0, $4  }
0x33: {  	s14 =	sadd.s32 s16, s30;
	[sflag:s7] =	ssyncadd.s32 $0xFFFF3800  }
0x34: {  	[hbm4b:s14+s2] =	stream.linear.scatter [tilespmem:s6], [sflag:$0x2], $0xC800, $0x38;
	[tilespmem:$0xCE40] =	vst v63  }
0x35: {  	_ =	swait.ge [sflag:s3], $0xC800  }
0x36: {  	s15 =	sadd.s32 $0xFFFFFFFF, s31;
	[sflag:s3] =	ssyncset.done $0x0  }
.LBB2_1:
0x37: {  	p0 =	sne.s32 s15, $0x1;
	s15 =	sadd.s32 $0xFFFFFFFF, s15;
	[sflag:s3] =	ssyncadd.s32 $0xFFFF3800  }
0x38: {  	[tilespmem:s2], [sflag:$0x2] =	stream.linear.gather [hbm4b:s4+s2], $0x640, $0x38;
	[tilespmem:$0xCE40] =	vst v63  }
0x39: {  	_ =	swait.ge [sflag:s3], $0x640  }
0x3a: {  	[sflag:s3] =	ssyncset.done $0x0  }
0x3b: {  	[sflag:s3] =	ssyncadd.s32 $0xFFFFF9C0  }
0x3c: {  	[tilespmem:s6], [sflag:$0x1] =	stream.indirect.gather [hbm4b:s5+s6], $0x20, s2, s6, $0xb8;
	[tilespmem:$0xCE40] =	vst v63  }
0x3d: {  	_ =	swait.ge [sflag:s7], $0xC800  }
0x3e: {  	[sflag:s7] =	ssyncset.done $0x0  }
0x3f: {  	[sflag:s7] =	ssyncadd.s32 $0xFFFF3800  }
0x40: {  	[hbm4b:s8+s2] =	stream.linear.scatter [tilespmem:s6], [sflag:$0x2], $0xC800, $0x38;
	[tilespmem:$0xCE40] =	vst v63  }
0x41: {  	_ =	swait.ge [sflag:s3], $0xC800  }
0x42: {  	[sflag:s3] =	ssyncset.done $0x0  }
0x43: {  	[sflag:s3] =	ssyncadd.s32 $0xFFFF3800  }
0x44: {  	[tilespmem:s2], [sflag:$0x2] =	stream.linear.gather [hbm4b:s9+s2], $0x640, $0x38;
	[tilespmem:$0xCE40] =	vst v63  }
0x45: {  	_ =	swait.ge [sflag:s3], $0x640  }
0x46: {  	[sflag:s3] =	ssyncset.done $0x0  }
0x47: {  	[sflag:s3] =	ssyncadd.s32 $0xFFFFF9C0  }
0x48: {  	[tilespmem:s6], [sflag:$0x1] =	stream.indirect.gather [hbm4b:s5+s6], $0x20, s2, s6, $0xb8;
	[tilespmem:$0xCE40] =	vst v63  }
0x49: {  	_ =	swait.ge [sflag:s7], $0xC800  }
0x4a: {  	[sflag:s7] =	ssyncset.done $0x0  }
0x4b: {  	[sflag:s7] =	ssyncadd.s32 $0xFFFF3800  }
0x4c: {  	[hbm4b:s10+s2] =	stream.linear.scatter [tilespmem:s6], [sflag:$0x2], $0xC800, $0x38;
	[tilespmem:$0xCE40] =	vst v63  }
0x4d: {  	_ =	swait.ge [sflag:s3], $0xC800  }
0x4e: {  	[sflag:s3] =	ssyncset.done $0x0  }
0x4f: {  	[sflag:s3] =	ssyncadd.s32 $0xFFFF3800  }
0x50: {  	[tilespmem:s2], [sflag:$0x2] =	stream.linear.gather [hbm4b:s11+s2], $0x640, $0x38;
	[tilespmem:$0xCE40] =	vst v63  }
0x51: {  	_ =	swait.ge [sflag:s3], $0x640  }
0x52: {  	[sflag:s3] =	ssyncset.done $0x0  }
0x53: {  	[sflag:s3] =	ssyncadd.s32 $0xFFFFF9C0  }
0x54: {  	[tilespmem:s6], [sflag:$0x1] =	stream.indirect.gather [hbm4b:s5+s6], $0x20, s2, s6, $0xb8;
	[tilespmem:$0xCE40] =	vst v63  }
0x55: {  	_ =	swait.ge [sflag:s7], $0xC800  }
0x56: {  	[sflag:s7] =	ssyncset.done $0x0  }
0x57: {  	[sflag:s7] =	ssyncadd.s32 $0xFFFF3800  }
0x58: {  	[hbm4b:s12+s2] =	stream.linear.scatter [tilespmem:s6], [sflag:$0x2], $0xC800, $0x38;
	[tilespmem:$0xCE40] =	vst v63  }
0x59: {  	_ =	swait.ge [sflag:s3], $0xC800  }
0x5a: {  	[sflag:s3] =	ssyncset.done $0x0  }
0x5b: {  	[sflag:s3] =	ssyncadd.s32 $0xFFFF3800  }
0x5c: {  	[tilespmem:s2], [sflag:$0x2] =	stream.linear.gather [hbm4b:s13+s2], $0x640, $0x38;
	[tilespmem:$0xCE40] =	vst v63  }
0x5d: {  	_ =	swait.ge [sflag:s3], $0x640  }
0x5e: {  	[sflag:s3] =	ssyncset.done $0x0  }
0x5f: {  	[sflag:s3] =	ssyncadd.s32 $0xFFFFF9C0  }
0x60: {  	[tilespmem:s6], [sflag:$0x1] =	stream.indirect.gather [hbm4b:s5+s6], $0x20, s2, s6, $0xb8;
	[tilespmem:$0xCE40] =	vst v63  }
0x61: {  	_ =	swait.ge [sflag:s7], $0xC800  }
.Ltmp1:
0x62: {  	[sflag:s7] =	ssyncset.done $0x0;
	(pc) =	sbr.rel @p0 .LBB2_1-.Ltmp1, $4  }
0x63: {  	[sflag:s7] =	ssyncadd.s32 $0xFFFF3800  }
0x64: {  	[hbm4b:s14+s2] =	stream.linear.scatter [tilespmem:s6], [sflag:$0x2], $0xC800, $0x38;
	[tilespmem:$0xCE40] =	vst v63  }
0x65: {  	_ =	swait.ge [sflag:s3], $0xC800  }
0x66: {  	[sflag:s3] =	ssyncset.done $0x0  }
.LBB2_2:
0x67: {  	[sflag:s3] =	ssyncadd.s32 $0xFFFF3800  }
0x68: {  	_ =	sfence.sel $0x180000  }
0x69: {  	[bflag:$0x0] =	sbarrier.arrive $0xFFFF  }
0x6a: {  	p0 =	sne.s32 s0, $0x0;
	_ =	strace $0x9000004A  }
0x6b: {  	s0 =	sadd.s32 @!p0 $0x100000, s1;
	[bflag:$0x2] =	sbarrier.arrive $0xFFFF  }
0x6c: {  	[sflag:s0] =	ssyncadd.tile.s32 @!p0 $0x1;
	_ =	shalt  }
.Lfunc_end2:
_tile_overlayer_lowered:
.L_overlay_start_2:
0x6d: {  	(tag) =	ssettag $0x2  }
0x6e: {  	s0 =	rddreg [dreg:$0x0];
	s2 =	stileid.u32  }
0x6f: {  	s1 =	rddreg [dreg:$0x1];
	p0 =	sne.s32 s2, $0x0  }
0x70: {  	s3 =	rddreg [dreg:$0x2];
	[bflag:$0x3] =	sbarrier.arrive $0xFFFF;
	s2 =	simm.s32 @!p0 $0x1C02  }
0x71: {  	[timem:s3], [sflag:s2] =	dma.local @!p0 [hbm:s0], s1  }
0x72: {  	s0 =	simm.s32 @!p0 $0x2  }
0x73: {  	_ =	swait.ge @!p0 [sflag:s0], s1  }
0x74: {  	s1 =	ssub.s32 @!p0 $0x0, s1;
	[sflag:s0] =	ssyncset.done @!p0 $0x0  }
0x75: {  	[sflag:s0] =	ssyncadd.s32 @!p0 s1  }
0x76: {  	[bflag:$0x3] =	sbarrier.arrive $0xFFFF  }
0x77: {  	_ =	shalt  }

</sc_bundles>
